<compile_context>
chip_gen: v7x
topology: tpu7x:2x2x1
jax: 0.10.2.dev20260603
libtpu: 0.0.44.dev20260713+nightly
codegen_flags: <defaults>
</compile_context>

<pallas_src>
import jax
import jax.numpy as jnp
from jax import lax
from jax.experimental import pallas as pl
from jax.experimental.pallas import tpu as pltpu
from jax.experimental.pallas import tpu_sc as plsc

VOCAB = 1000000
EMBED_DIM = 64
NUM_CLASS = 4
TOTAL_TOK = 204800
BATCH = 4096

NUM_WORKERS = 32
PHASE_A = BATCH
A_PER_W = PHASE_A // NUM_WORKERS
B_TOK = TOTAL_TOK - PHASE_A
B_PER_W = B_TOK // NUM_WORKERS
CHUNK = 112
NCHUNK = B_PER_W // CHUNK
ROWS_UNROLL = 8
BIG_COUNT = TOTAL_TOK - (BATCH - 1)


def _sc_gather_kernel(textA_hbm, textB_hbm, table_hbm, rows_hbm, parts_hbm,
                      idxA_v, idxB_v, rowsA_v, rb0_v, rb1_v, part_v,
                      semA, sem0, sem1):
  nc = 2
  wid = lax.axis_index("s") * nc + lax.axis_index("c")

  pltpu.sync_copy(textA_hbm.at[wid], idxA_v)
  cpA = pltpu.async_copy(table_hbm.at[idxA_v], rowsA_v, semA)

  pltpu.sync_copy(textB_hbm.at[wid], idxB_v)

  pltpu.async_copy(table_hbm.at[idxB_v.at[0]], rb0_v, sem0)
  pltpu.async_copy(table_hbm.at[idxB_v.at[1]], rb1_v, sem1)

  cpA.wait()
  pltpu.sync_copy(rowsA_v, rows_hbm.at[pl.ds(wid * A_PER_W, A_PER_W), :])

  def accum(rows_v, acc):
    def step(i, carry):
      b0, b1, b2, b3 = carry
      base = i * ROWS_UNROLL
      for rr in range(ROWS_UNROLL):
        r = base + rr
        b0 = b0 + rows_v[r, pl.ds(0, 16)]
        b1 = b1 + rows_v[r, pl.ds(16, 16)]
        b2 = b2 + rows_v[r, pl.ds(32, 16)]
        b3 = b3 + rows_v[r, pl.ds(48, 16)]
      return b0, b1, b2, b3

    return lax.fori_loop(0, CHUNK // ROWS_UNROLL, step, acc, unroll=False)

  zero = jnp.zeros((16,), jnp.float32)
  acc = (zero, zero, zero, zero)

  def chunk_pair(j, acc):
    k = j * 2
    pltpu.make_async_copy(table_hbm.at[idxB_v.at[0]], rb0_v, sem0).wait()
    acc = accum(rb0_v, acc)

    @pl.when(k + 2 < NCHUNK)
    def _():
      pltpu.async_copy(table_hbm.at[idxB_v.at[k + 2]], rb0_v, sem0)

    pltpu.make_async_copy(table_hbm.at[idxB_v.at[1]], rb1_v, sem1).wait()
    acc = accum(rb1_v, acc)

    @pl.when(k + 3 < NCHUNK)
    def _():
      pltpu.async_copy(table_hbm.at[idxB_v.at[k + 3]], rb1_v, sem1)

    return acc

  a0, a1, a2, a3 = lax.fori_loop(0, NCHUNK // 2, chunk_pair, acc,
                                 unroll=False)

  part_v[pl.ds(0, 16)] = a0
  part_v[pl.ds(16, 16)] = a1
  part_v[pl.ds(32, 16)] = a2
  part_v[pl.ds(48, 16)] = a3
  pltpu.sync_copy(part_v, parts_hbm.at[wid])


def _sc_gather(textA, textB, table):
  mesh = plsc.VectorSubcoreMesh(core_axis_name="c", subcore_axis_name="s")
  fn = pl.kernel(
      _sc_gather_kernel,
      mesh=mesh,
      compiler_params=pltpu.CompilerParams(use_tc_tiling_on_sc=False),
      out_type=(
          jax.ShapeDtypeStruct((BATCH, EMBED_DIM), jnp.float32),
          jax.ShapeDtypeStruct((NUM_WORKERS, EMBED_DIM), jnp.float32),
      ),
      scratch_types=[
          pltpu.VMEM((A_PER_W,), jnp.int32),
          pltpu.VMEM((NCHUNK, CHUNK), jnp.int32),
          pltpu.VMEM((A_PER_W, EMBED_DIM), jnp.float32),
          pltpu.VMEM((CHUNK, EMBED_DIM), jnp.float32),
          pltpu.VMEM((CHUNK, EMBED_DIM), jnp.float32),
          pltpu.VMEM((EMBED_DIM,), jnp.float32),
          pltpu.SemaphoreType.DMA,
          pltpu.SemaphoreType.DMA,
          pltpu.SemaphoreType.DMA,
      ],
  )
  return fn(textA, textB, table)


def _tc_head_kernel(rows_ref, parts_ref, fcw_ref, fcb_ref, out_ref):
  rows = rows_ref[...]
  parts = parts_ref[...]
  row_ids = lax.broadcasted_iota(jnp.int32, (BATCH, 1), 0)
  last = BATCH - 1
  first_tok = jnp.sum(jnp.where(row_ids == last, rows, 0.0), axis=0,
                      keepdims=True)
  big = jnp.sum(parts, axis=0, keepdims=True) + first_tok
  bigmean = big * (1.0 / BIG_COUNT)
  emb = jnp.where(row_ids == last, bigmean, rows)
  out = lax.dot_general(emb, fcw_ref[...], (((1,), (1,)), ((), ())),
                        preferred_element_type=jnp.float32)
  out_ref[...] = out + fcb_ref[...]


def _tc_head(rows, parts, fc_w, fc_b):
  return pl.pallas_call(
      _tc_head_kernel,
      out_shape=jax.ShapeDtypeStruct((BATCH, NUM_CLASS), jnp.float32),
  )(rows, parts, fc_w, fc_b.reshape(1, NUM_CLASS))


@jax.jit
def kernel(text, offsets, table, fc_w, fc_b):
  del offsets
  text = text.astype(jnp.int32)
  textA = text[:PHASE_A].reshape(NUM_WORKERS, A_PER_W)
  textB = text[PHASE_A:].reshape(NUM_WORKERS, NCHUNK, CHUNK)
  rows, parts = _sc_gather(textA, textB, table)
  return _tc_head(rows, parts, fc_w, fc_b)

# --- scband reference (transcript-rebuilt; emitter-appended) ---
"""Pipeline reference for scband-text-classification-model-34376918237715 (READ-ONLY COPY).

The authoritative reference and input builder live on the scoring server;
editing this copy changes nothing except your own understanding.
"""

import jax, jax.numpy as jnp
import numpy as np

VOCAB = 1000000
EMBED_DIM = 64
NUM_CLASS = 4
TOTAL_TOK = 204800
BATCH = 4096

def setup_inputs(seed: int = 0) -> dict:
    key = jax.random.key(seed)
    k1, k2, k3, k4 = jax.random.split(key, 4)
    text = jax.random.randint(k1, (TOTAL_TOK,), 0, VOCAB, dtype=jnp.int64 if jax.config.jax_enable_x64 else jnp.int32)
    offsets = jnp.arange(BATCH, dtype=text.dtype)
    table = jax.random.normal(k2, (VOCAB, EMBED_DIM), dtype=jnp.float32) * 0.02
    fc_w = jax.random.normal(k3, (NUM_CLASS, EMBED_DIM), dtype=jnp.float32) * 0.02
    fc_b = jax.random.normal(k4, (NUM_CLASS,), dtype=jnp.float32) * 0.02
    return {"text": text, "offsets": offsets, "table": table, "fc_w": fc_w, "fc_b": fc_b}

def reference(text, offsets, table, fc_w, fc_b):
    T = text.shape[0]
    B = offsets.shape[0]
    # EmbeddingBag(mode='mean'): gather then segment-mean per bag
    gathered = jnp.take(table, text, axis=0)  # [T, D]
    seg_ids = jnp.searchsorted(offsets, jnp.arange(T, dtype=offsets.dtype), side='right') - 1  # [T]
    sums = jax.ops.segment_sum(gathered, seg_ids, num_segments=B)  # [B, D]
    counts = jax.ops.segment_sum(jnp.ones((T,), dtype=jnp.float32), seg_ids, num_segments=B)  # [B]
    embedded = sums / jnp.maximum(counts, 1.0)[:, None]
    # Linear layer
    out = embedded @ fc_w.T + fc_b
    return out

if __name__ == "__main__":
    import jax
    _d = setup_inputs()
    print(jax.jit(kernel)(*tuple(_d.values())))

</pallas_src>

<mosaic_0001>
#map = affine_map<(d0, d1) -> (0, 0)>
#map1 = affine_map<(d0, d1) -> (0, 0, 0)>
module attributes {stable_mosaic.version = 14 : i64} {
  func.func @_sc_gather_kernel(%arg0: i32, %arg1: i32, %arg2: memref<32x128xi32, #tpu.memory_space<hbm>>, %arg3: memref<32x56x112xi32, #tpu.memory_space<hbm>>, %arg4: memref<1000000x64xf32, #tpu.memory_space<hbm>>, %arg5: memref<4096x64xf32, #tpu.memory_space<hbm>>, %arg6: memref<32x64xf32, #tpu.memory_space<hbm>>, %arg7: memref<128xi32, #tpu.memory_space<vmem>>, %arg8: memref<56x112xi32, #tpu.memory_space<vmem>>, %arg9: memref<128x64xf32, #tpu.memory_space<vmem>>, %arg10: memref<112x64xf32, #tpu.memory_space<vmem>>, %arg11: memref<112x64xf32, #tpu.memory_space<vmem>>, %arg12: memref<64xf32, #tpu.memory_space<vmem>>, %arg13: memref<!tpu.dma_semaphore, #tpu.memory_space<semaphore_mem>>, %arg14: memref<!tpu.dma_semaphore, #tpu.memory_space<semaphore_mem>>, %arg15: memref<!tpu.dma_semaphore, #tpu.memory_space<semaphore_mem>>) attributes {dimension_semantics = [#tpu.dimension_semantics<core_parallel>, #tpu.dimension_semantics<subcore_parallel>], iteration_bounds = array<i64: 2, 16>, scalar_prefetch = 0 : i64, scratch_operands = 9 : i64, tpu.core_type = #tpu.core_type<sc_vector_subcore>, window_params = [{transform_indices = #map}, {transform_indices = #map1}, {transform_indices = #map}, {transform_indices = #map}, {transform_indices = #map}]} {
    %mul3A = arith.constant 2 : i32
    %mul3A_0 = arith.muli %arg1, %mul3A : i32
    %add3A = arith.addi %mul3A_0, %arg0 : i32
    "tpu.region"() ({
      %run_scoped3A = tpu.sem_alloc : memref<!tpu.dma_semaphore, #tpu.memory_space<semaphore_mem>>
      %dma_start3A_42 = arith.constant 0 : i32
      %dma_start3A_43 = tpu.memref_slice %arg2[%add3A, %dma_start3A_42] : memref<32x128xi32, #tpu.memory_space<hbm>> -> memref<1x128xi32, #tpu.memory_space<hbm>>
      %dma_start3A_44 = tpu.memref_squeeze %dma_start3A_43 : memref<1x128xi32, #tpu.memory_space<hbm>> -> memref<128xi32, #tpu.memory_space<hbm>>
      %dma_start3A_45 = arith.constant 0 : i32
      %dma_start3A_46 = tpu.memref_slice %arg2[%add3A, %dma_start3A_45] : memref<32x128xi32, #tpu.memory_space<hbm>> -> memref<1x128xi32, #tpu.memory_space<hbm>>
      %dma_start3A_47 = tpu.memref_squeeze %dma_start3A_46 : memref<1x128xi32, #tpu.memory_space<hbm>> -> memref<128xi32, #tpu.memory_space<hbm>>
      tpu.enqueue_dma source(%dma_start3A_47 : memref<128xi32, #tpu.memory_space<hbm>>) target(%arg7 : memref<128xi32, #tpu.memory_space<vmem>>) target_semaphore(%run_scoped3A : memref<!tpu.dma_semaphore, #tpu.memory_space<semaphore_mem>>)
      %dma_wait3A_48 = arith.constant 0 : i32
      %dma_wait3A_49 = tpu.memref_slice %arg2[%add3A, %dma_wait3A_48] : memref<32x128xi32, #tpu.memory_space<hbm>> -> memref<1x128xi32, #tpu.memory_space<hbm>>
      %dma_wait3A_50 = tpu.memref_squeeze %dma_wait3A_49 : memref<1x128xi32, #tpu.memory_space<hbm>> -> memref<128xi32, #tpu.memory_space<hbm>>
      %dma_wait3A_51 = arith.constant 0 : i32
      %dma_wait3A_52 = tpu.memref_slice %arg2[%add3A, %dma_wait3A_51] : memref<32x128xi32, #tpu.memory_space<hbm>> -> memref<1x128xi32, #tpu.memory_space<hbm>>
      %dma_wait3A_53 = tpu.memref_squeeze %dma_wait3A_52 : memref<1x128xi32, #tpu.memory_space<hbm>> -> memref<128xi32, #tpu.memory_space<hbm>>
      tpu.wait_dma2 semaphore(%run_scoped3A : memref<!tpu.dma_semaphore, #tpu.memory_space<semaphore_mem>>) src(%dma_wait3A_53 : memref<128xi32, #tpu.memory_space<hbm>>) dst(%arg7 : memref<128xi32, #tpu.memory_space<vmem>>)
      tpu.yield
    }) : () -> ()
    %dma_start3A = arith.constant 0 : i32
    %dma_start3A_1 = arith.constant 0 : i32
    %dma_start3A_2 = tpu.memref_slice %arg4[%dma_start3A, %dma_start3A_1] : memref<1000000x64xf32, #tpu.memory_space<hbm>> -> memref<1000000x64xf32, #tpu.memory_space<hbm>>
    tpu.enqueue_indirect_dma source(%dma_start3A_2 : memref<1000000x64xf32, #tpu.memory_space<hbm>>) target(%arg9 : memref<128x64xf32, #tpu.memory_space<vmem>>) offsets(%arg7 : memref<128xi32, #tpu.memory_space<vmem>>) semaphore(%arg13 : memref<!tpu.dma_semaphore, #tpu.memory_space<semaphore_mem>>)
    "tpu.region"() ({
      %run_scoped3A = tpu.sem_alloc : memref<!tpu.dma_semaphore, #tpu.memory_space<semaphore_mem>>
      %dma_start3A_42 = arith.constant 0 : i32
      %dma_start3A_43 = arith.constant 0 : i32
      %dma_start3A_44 = tpu.memref_slice %arg3[%add3A, %dma_start3A_42, %dma_start3A_43] : memref<32x56x112xi32, #tpu.memory_space<hbm>> -> memref<1x56x112xi32, #tpu.memory_space<hbm>>
      %dma_start3A_45 = tpu.memref_squeeze %dma_start3A_44 : memref<1x56x112xi32, #tpu.memory_space<hbm>> -> memref<56x112xi32, #tpu.memory_space<hbm>>
      %dma_start3A_46 = arith.constant 0 : i32
      %dma_start3A_47 = arith.constant 0 : i32
      %dma_start3A_48 = tpu.memref_slice %arg3[%add3A, %dma_start3A_46, %dma_start3A_47] : memref<32x56x112xi32, #tpu.memory_space<hbm>> -> memref<1x56x112xi32, #tpu.memory_space<hbm>>
      %dma_start3A_49 = tpu.memref_squeeze %dma_start3A_48 : memref<1x56x112xi32, #tpu.memory_space<hbm>> -> memref<56x112xi32, #tpu.memory_space<hbm>>
      tpu.enqueue_dma source(%dma_start3A_49 : memref<56x112xi32, #tpu.memory_space<hbm>>) target(%arg8 : memref<56x112xi32, #tpu.memory_space<vmem>>) target_semaphore(%run_scoped3A : memref<!tpu.dma_semaphore, #tpu.memory_space<semaphore_mem>>)
      %dma_wait3A_50 = arith.constant 0 : i32
      %dma_wait3A_51 = arith.constant 0 : i32
      %dma_wait3A_52 = tpu.memref_slice %arg3[%add3A, %dma_wait3A_50, %dma_wait3A_51] : memref<32x56x112xi32, #tpu.memory_space<hbm>> -> memref<1x56x112xi32, #tpu.memory_space<hbm>>
      %dma_wait3A_53 = tpu.memref_squeeze %dma_wait3A_52 : memref<1x56x112xi32, #tpu.memory_space<hbm>> -> memref<56x112xi32, #tpu.memory_space<hbm>>
      %dma_wait3A_54 = arith.constant 0 : i32
      %dma_wait3A_55 = arith.constant 0 : i32
      %dma_wait3A_56 = tpu.memref_slice %arg3[%add3A, %dma_wait3A_54, %dma_wait3A_55] : memref<32x56x112xi32, #tpu.memory_space<hbm>> -> memref<1x56x112xi32, #tpu.memory_space<hbm>>
      %dma_wait3A_57 = tpu.memref_squeeze %dma_wait3A_56 : memref<1x56x112xi32, #tpu.memory_space<hbm>> -> memref<56x112xi32, #tpu.memory_space<hbm>>
      tpu.wait_dma2 semaphore(%run_scoped3A : memref<!tpu.dma_semaphore, #tpu.memory_space<semaphore_mem>>) src(%dma_wait3A_57 : memref<56x112xi32, #tpu.memory_space<hbm>>) dst(%arg8 : memref<56x112xi32, #tpu.memory_space<vmem>>)
      tpu.yield
    }) : () -> ()
    %dma_start3A_3 = arith.constant 0 : i32
    %dma_start3A_4 = arith.constant 0 : i32
    %dma_start3A_5 = tpu.memref_slice %arg8[%dma_start3A_3, %dma_start3A_4] : memref<56x112xi32, #tpu.memory_space<vmem>> -> memref<1x112xi32, #tpu.memory_space<vmem>>
    %dma_start3A_6 = tpu.memref_squeeze %dma_start3A_5 : memref<1x112xi32, #tpu.memory_space<vmem>> -> memref<112xi32, #tpu.memory_space<vmem>>
    %dma_start3A_7 = arith.constant 0 : i32
    %dma_start3A_8 = arith.constant 0 : i32
    %dma_start3A_9 = tpu.memref_slice %arg4[%dma_start3A_7, %dma_start3A_8] : memref<1000000x64xf32, #tpu.memory_space<hbm>> -> memref<1000000x64xf32, #tpu.memory_space<hbm>>
    tpu.enqueue_indirect_dma source(%dma_start3A_9 : memref<1000000x64xf32, #tpu.memory_space<hbm>>) target(%arg10 : memref<112x64xf32, #tpu.memory_space<vmem>>) offsets(%dma_start3A_6 : memref<112xi32, #tpu.memory_space<vmem>>) semaphore(%arg14 : memref<!tpu.dma_semaphore, #tpu.memory_space<semaphore_mem>>)
    %dma_start3A_10 = arith.constant 1 : i32
    %dma_start3A_11 = arith.constant 0 : i32
    %dma_start3A_12 = tpu.memref_slice %arg8[%dma_start3A_10, %dma_start3A_11] : memref<56x112xi32, #tpu.memory_space<vmem>> -> memref<1x112xi32, #tpu.memory_space<vmem>>
    %dma_start3A_13 = tpu.memref_squeeze %dma_start3A_12 : memref<1x112xi32, #tpu.memory_space<vmem>> -> memref<112xi32, #tpu.memory_space<vmem>>
    %dma_start3A_14 = arith.constant 0 : i32
    %dma_start3A_15 = arith.constant 0 : i32
    %dma_start3A_16 = tpu.memref_slice %arg4[%dma_start3A_14, %dma_start3A_15] : memref<1000000x64xf32, #tpu.memory_space<hbm>> -> memref<1000000x64xf32, #tpu.memory_space<hbm>>
    tpu.enqueue_indirect_dma source(%dma_start3A_16 : memref<1000000x64xf32, #tpu.memory_space<hbm>>) target(%arg11 : memref<112x64xf32, #tpu.memory_space<vmem>>) offsets(%dma_start3A_13 : memref<112xi32, #tpu.memory_space<vmem>>) semaphore(%arg15 : memref<!tpu.dma_semaphore, #tpu.memory_space<semaphore_mem>>)
    %dma_wait3A = arith.constant 0 : i32
    %dma_wait3A_17 = arith.constant 0 : i32
    %dma_wait3A_18 = tpu.memref_slice %arg4[%dma_wait3A, %dma_wait3A_17] : memref<1000000x64xf32, #tpu.memory_space<hbm>> -> memref<1000000x64xf32, #tpu.memory_space<hbm>>
    tpu.wait_indirect_dma semaphore(%arg13 : memref<!tpu.dma_semaphore, #tpu.memory_space<semaphore_mem>>) src(%dma_wait3A_18 : memref<1000000x64xf32, #tpu.memory_space<hbm>>) dst(%arg9 : memref<128x64xf32, #tpu.memory_space<vmem>>)
    %mul3A_19 = arith.constant 128 : i32
    %mul3A_20 = arith.muli %add3A, %mul3A_19 : i32
    "tpu.region"() ({
      %run_scoped3A = tpu.sem_alloc : memref<!tpu.dma_semaphore, #tpu.memory_space<semaphore_mem>>
      %dma_start3A_42 = arith.constant 0 : i32
      %dma_start3A_43 = tpu.memref_slice %arg5[%mul3A_20, %dma_start3A_42] : memref<4096x64xf32, #tpu.memory_space<hbm>> -> memref<128x64xf32, #tpu.memory_space<hbm>>
      %dma_start3A_44 = arith.constant 0 : i32
      %dma_start3A_45 = tpu.memref_slice %arg5[%mul3A_20, %dma_start3A_44] : memref<4096x64xf32, #tpu.memory_space<hbm>> -> memref<128x64xf32, #tpu.memory_space<hbm>>
      tpu.enqueue_dma source(%arg9 : memref<128x64xf32, #tpu.memory_space<vmem>>) target(%dma_start3A_45 : memref<128x64xf32, #tpu.memory_space<hbm>>) target_semaphore(%run_scoped3A : memref<!tpu.dma_semaphore, #tpu.memory_space<semaphore_mem>>)
      %dma_wait3A_46 = arith.constant 0 : i32
      %dma_wait3A_47 = tpu.memref_slice %arg5[%mul3A_20, %dma_wait3A_46] : memref<4096x64xf32, #tpu.memory_space<hbm>> -> memref<128x64xf32, #tpu.memory_space<hbm>>
      %dma_wait3A_48 = arith.constant 0 : i32
      %dma_wait3A_49 = tpu.memref_slice %arg5[%mul3A_20, %dma_wait3A_48] : memref<4096x64xf32, #tpu.memory_space<hbm>> -> memref<128x64xf32, #tpu.memory_space<hbm>>
      tpu.wait_dma2 semaphore(%run_scoped3A : memref<!tpu.dma_semaphore, #tpu.memory_space<semaphore_mem>>) src(%arg9 : memref<128x64xf32, #tpu.memory_space<vmem>>) dst(%dma_wait3A_49 : memref<128x64xf32, #tpu.memory_space<hbm>>)
      tpu.yield
    }) : () -> ()
    %broadcast_in_dim3A = arith.constant 0.000000e+00 : f32
    %broadcast_in_dim3A_21 = vector.broadcast %broadcast_in_dim3A : f32 to vector<16xf32>
    %scan3A = arith.constant 0 : i32
    %scan3A_22 = arith.constant 28 : i32
    %scan3A_23 = arith.addi %scan3A, %scan3A_22 : i32
    %scan3A_24 = arith.constant 1 : i32
    %scan3A_25:4 = scf.for %scan3A_42 = %scan3A to %scan3A_23 step %scan3A_24 iter_args(%scan3A_43 = %broadcast_in_dim3A_21, %scan3A_44 = %broadcast_in_dim3A_21, %scan3A_45 = %broadcast_in_dim3A_21, %scan3A_46 = %broadcast_in_dim3A_21) -> (vector<16xf32>, vector<16xf32>, vector<16xf32>, vector<16xf32>)  : i32 {
      %mul3A_47 = arith.constant 2 : i32
      %mul3A_48 = arith.muli %scan3A_42, %mul3A_47 : i32
      %dma_wait3A_49 = arith.constant 0 : i32
      %dma_wait3A_50 = arith.constant 0 : i32
      %dma_wait3A_51 = tpu.memref_slice %arg8[%dma_wait3A_49, %dma_wait3A_50] : memref<56x112xi32, #tpu.memory_space<vmem>> -> memref<1x112xi32, #tpu.memory_space<vmem>>
      %dma_wait3A_52 = tpu.memref_squeeze %dma_wait3A_51 : memref<1x112xi32, #tpu.memory_space<vmem>> -> memref<112xi32, #tpu.memory_space<vmem>>
      %dma_wait3A_53 = arith.constant 0 : i32
      %dma_wait3A_54 = arith.constant 0 : i32
      %dma_wait3A_55 = tpu.memref_slice %arg4[%dma_wait3A_53, %dma_wait3A_54] : memref<1000000x64xf32, #tpu.memory_space<hbm>> -> memref<1000000x64xf32, #tpu.memory_space<hbm>>
      tpu.wait_indirect_dma semaphore(%arg14 : memref<!tpu.dma_semaphore, #tpu.memory_space<semaphore_mem>>) src(%dma_wait3A_55 : memref<1000000x64xf32, #tpu.memory_space<hbm>>) dst(%arg10 : memref<112x64xf32, #tpu.memory_space<vmem>>)
      %scan3A_56 = arith.constant 0 : i32
      %scan3A_57 = arith.constant 14 : i32
      %scan3A_58 = arith.addi %scan3A_56, %scan3A_57 : i32
      %scan3A_59 = arith.constant 1 : i32
      %scan3A_60:4 = scf.for %scan3A_86 = %scan3A_56 to %scan3A_58 step %scan3A_59 iter_args(%scan3A_87 = %scan3A_43, %scan3A_88 = %scan3A_44, %scan3A_89 = %scan3A_45, %scan3A_90 = %scan3A_46) -> (vector<16xf32>, vector<16xf32>, vector<16xf32>, vector<16xf32>)  : i32 {
        %mul3A_91 = arith.constant 8 : i32
        %mul3A_92 = arith.muli %scan3A_86, %mul3A_91 : i32
        %add3A_93 = arith.constant 0 : i32
        %add3A_94 = arith.addi %mul3A_92, %add3A_93 : i32
        %get3A = arith.index_cast %add3A_94 : i32 to index
        %get3A_95 = arith.constant 0 : index
        %get3A_96 = tpu.vector_load %arg10[%get3A, %get3A_95] {strides = array<i32>} : memref<112x64xf32, #tpu.memory_space<vmem>>, vector<1x16xf32>,
        %get3A_97 = vector.shape_cast %get3A_96 : vector<1x16xf32> to vector<16xf32>
        %add3A_98 = arith.addf %scan3A_87, %get3A_97 : vector<16xf32>
        %get3A_99 = arith.index_cast %add3A_94 : i32 to index
        %get3A_100 = arith.constant 16 : index
        %get3A_101 = tpu.vector_load %arg10[%get3A_99, %get3A_100] {strides = array<i32>} : memref<112x64xf32, #tpu.memory_space<vmem>>, vector<1x16xf32>,
        %get3A_102 = vector.shape_cast %get3A_101 : vector<1x16xf32> to vector<16xf32>
        %add3A_103 = arith.addf %scan3A_88, %get3A_102 : vector<16xf32>
        %get3A_104 = arith.index_cast %add3A_94 : i32 to index
        %get3A_105 = arith.constant 32 : index
        %get3A_106 = tpu.vector_load %arg10[%get3A_104, %get3A_105] {strides = array<i32>} : memref<112x64xf32, #tpu.memory_space<vmem>>, vector<1x16xf32>,
        %get3A_107 = vector.shape_cast %get3A_106 : vector<1x16xf32> to vector<16xf32>
        %add3A_108 = arith.addf %scan3A_89, %get3A_107 : vector<16xf32>
        %get3A_109 = arith.index_cast %add3A_94 : i32 to index
        %get3A_110 = arith.constant 48 : index
        %get3A_111 = tpu.vector_load %arg10[%get3A_109, %get3A_110] {strides = array<i32>} : memref<112x64xf32, #tpu.memory_space<vmem>>, vector<1x16xf32>,
        %get3A_112 = vector.shape_cast %get3A_111 : vector<1x16xf32> to vector<16xf32>
        %add3A_113 = arith.addf %scan3A_90, %get3A_112 : vector<16xf32>
        %add3A_114 = arith.constant 1 : i32
        %add3A_115 = arith.addi %mul3A_92, %add3A_114 : i32
        %get3A_116 = arith.index_cast %add3A_115 : i32 to index
        %get3A_117 = arith.constant 0 : index
        %get3A_118 = tpu.vector_load %arg10[%get3A_116, %get3A_117] {strides = array<i32>} : memref<112x64xf32, #tpu.memory_space<vmem>>, vector<1x16xf32>,
        %get3A_119 = vector.shape_cast %get3A_118 : vector<1x16xf32> to vector<16xf32>
        %add3A_120 = arith.addf %add3A_98, %get3A_119 : vector<16xf32>
        %get3A_121 = arith.index_cast %add3A_115 : i32 to index
        %get3A_122 = arith.constant 16 : index
        %get3A_123 = tpu.vector_load %arg10[%get3A_121, %get3A_122] {strides = array<i32>} : memref<112x64xf32, #tpu.memory_space<vmem>>, vector<1x16xf32>,
        %get3A_124 = vector.shape_cast %get3A_123 : vector<1x16xf32> to vector<16xf32>
        %add3A_125 = arith.addf %add3A_103, %get3A_124 : vector<16xf32>
        %get3A_126 = arith.index_cast %add3A_115 : i32 to index
        %get3A_127 = arith.constant 32 : index
        %get3A_128 = tpu.vector_load %arg10[%get3A_126, %get3A_127] {strides = array<i32>} : memref<112x64xf32, #tpu.memory_space<vmem>>, vector<1x16xf32>,
        %get3A_129 = vector.shape_cast %get3A_128 : vector<1x16xf32> to vector<16xf32>
        %add3A_130 = arith.addf %add3A_108, %get3A_129 : vector<16xf32>
        %get3A_131 = arith.index_cast %add3A_115 : i32 to index
        %get3A_132 = arith.constant 48 : index
        %get3A_133 = tpu.vector_load %arg10[%get3A_131, %get3A_132] {strides = array<i32>} : memref<112x64xf32, #tpu.memory_space<vmem>>, vector<1x16xf32>,
        %get3A_134 = vector.shape_cast %get3A_133 : vector<1x16xf32> to vector<16xf32>
        %add3A_135 = arith.addf %add3A_113, %get3A_134 : vector<16xf32>
        %add3A_136 = arith.constant 2 : i32
        %add3A_137 = arith.addi %mul3A_92, %add3A_136 : i32
        %get3A_138 = arith.index_cast %add3A_137 : i32 to index
        %get3A_139 = arith.constant 0 : index
        %get3A_140 = tpu.vector_load %arg10[%get3A_138, %get3A_139] {strides = array<i32>} : memref<112x64xf32, #tpu.memory_space<vmem>>, vector<1x16xf32>,
        %get3A_141 = vector.shape_cast %get3A_140 : vector<1x16xf32> to vector<16xf32>
        %add3A_142 = arith.addf %add3A_120, %get3A_141 : vector<16xf32>
        %get3A_143 = arith.index_cast %add3A_137 : i32 to index
        %get3A_144 = arith.constant 16 : index
        %get3A_145 = tpu.vector_load %arg10[%get3A_143, %get3A_144] {strides = array<i32>} : memref<112x64xf32, #tpu.memory_space<vmem>>, vector<1x16xf32>,
        %get3A_146 = vector.shape_cast %get3A_145 : vector<1x16xf32> to vector<16xf32>
        %add3A_147 = arith.addf %add3A_125, %get3A_146 : vector<16xf32>
        %get3A_148 = arith.index_cast %add3A_137 : i32 to index
        %get3A_149 = arith.constant 32 : index
        %get3A_150 = tpu.vector_load %arg10[%get3A_148, %get3A_149] {strides = array<i32>} : memref<112x64xf32, #tpu.memory_space<vmem>>, vector<1x16xf32>,
        %get3A_151 = vector.shape_cast %get3A_150 : vector<1x16xf32> to vector<16xf32>
        %add3A_152 = arith.addf %add3A_130, %get3A_151 : vector<16xf32>
        %get3A_153 = arith.index_cast %add3A_137 : i32 to index
        %get3A_154 = arith.constant 48 : index
        %get3A_155 = tpu.vector_load %arg10[%get3A_153, %get3A_154] {strides = array<i32>} : memref<112x64xf32, #tpu.memory_space<vmem>>, vector<1x16xf32>,
        %get3A_156 = vector.shape_cast %get3A_155 : vector<1x16xf32> to vector<16xf32>
        %add3A_157 = arith.addf %add3A_135, %get3A_156 : vector<16xf32>
        %add3A_158 = arith.constant 3 : i32
        %add3A_159 = arith.addi %mul3A_92, %add3A_158 : i32
        %get3A_160 = arith.index_cast %add3A_159 : i32 to index
        %get3A_161 = arith.constant 0 : index
        %get3A_162 = tpu.vector_load %arg10[%get3A_160, %get3A_161] {strides = array<i32>} : memref<112x64xf32, #tpu.memory_space<vmem>>, vector<1x16xf32>,
        %get3A_163 = vector.shape_cast %get3A_162 : vector<1x16xf32> to vector<16xf32>
        %add3A_164 = arith.addf %add3A_142, %get3A_163 : vector<16xf32>
        %get3A_165 = arith.index_cast %add3A_159 : i32 to index
        %get3A_166 = arith.constant 16 : index
        %get3A_167 = tpu.vector_load %arg10[%get3A_165, %get3A_166] {strides = array<i32>} : memref<112x64xf32, #tpu.memory_space<vmem>>, vector<1x16xf32>,
        %get3A_168 = vector.shape_cast %get3A_167 : vector<1x16xf32> to vector<16xf32>
        %add3A_169 = arith.addf %add3A_147, %get3A_168 : vector<16xf32>
        %get3A_170 = arith.index_cast %add3A_159 : i32 to index
        %get3A_171 = arith.constant 32 : index
        %get3A_172 = tpu.vector_load %arg10[%get3A_170, %get3A_171] {strides = array<i32>} : memref<112x64xf32, #tpu.memory_space<vmem>>, vector<1x16xf32>,
        %get3A_173 = vector.shape_cast %get3A_172 : vector<1x16xf32> to vector<16xf32>
        %add3A_174 = arith.addf %add3A_152, %get3A_173 : vector<16xf32>
        %get3A_175 = arith.index_cast %add3A_159 : i32 to index
        %get3A_176 = arith.constant 48 : index
        %get3A_177 = tpu.vector_load %arg10[%get3A_175, %get3A_176] {strides = array<i32>} : memref<112x64xf32, #tpu.memory_space<vmem>>, vector<1x16xf32>,
        %get3A_178 = vector.shape_cast %get3A_177 : vector<1x16xf32> to vector<16xf32>
        %add3A_179 = arith.addf %add3A_157, %get3A_178 : vector<16xf32>
        %add3A_180 = arith.constant 4 : i32
        %add3A_181 = arith.addi %mul3A_92, %add3A_180 : i32
        %get3A_182 = arith.index_cast %add3A_181 : i32 to index
        %get3A_183 = arith.constant 0 : index
        %get3A_184 = tpu.vector_load %arg10[%get3A_182, %get3A_183] {strides = array<i32>} : memref<112x64xf32, #tpu.memory_space<vmem>>, vector<1x16xf32>,
        %get3A_185 = vector.shape_cast %get3A_184 : vector<1x16xf32> to vector<16xf32>
        %add3A_186 = arith.addf %add3A_164, %get3A_185 : vector<16xf32>
        %get3A_187 = arith.index_cast %add3A_181 : i32 to index
        %get3A_188 = arith.constant 16 : index
        %get3A_189 = tpu.vector_load %arg10[%get3A_187, %get3A_188] {strides = array<i32>} : memref<112x64xf32, #tpu.memory_space<vmem>>, vector<1x16xf32>,
        %get3A_190 = vector.shape_cast %get3A_189 : vector<1x16xf32> to vector<16xf32>
        %add3A_191 = arith.addf %add3A_169, %get3A_190 : vector<16xf32>
        %get3A_192 = arith.index_cast %add3A_181 : i32 to index
        %get3A_193 = arith.constant 32 : index
        %get3A_194 = tpu.vector_load %arg10[%get3A_192, %get3A_193] {strides = array<i32>} : memref<112x64xf32, #tpu.memory_space<vmem>>, vector<1x16xf32>,
        %get3A_195 = vector.shape_cast %get3A_194 : vector<1x16xf32> to vector<16xf32>
        %add3A_196 = arith.addf %add3A_174, %get3A_195 : vector<16xf32>
        %get3A_197 = arith.index_cast %add3A_181 : i32 to index
        %get3A_198 = arith.constant 48 : index
        %get3A_199 = tpu.vector_load %arg10[%get3A_197, %get3A_198] {strides = array<i32>} : memref<112x64xf32, #tpu.memory_space<vmem>>, vector<1x16xf32>,
        %get3A_200 = vector.shape_cast %get3A_199 : vector<1x16xf32> to vector<16xf32>
        %add3A_201 = arith.addf %add3A_179, %get3A_200 : vector<16xf32>
        %add3A_202 = arith.constant 5 : i32
        %add3A_203 = arith.addi %mul3A_92, %add3A_202 : i32
        %get3A_204 = arith.index_cast %add3A_203 : i32 to index
        %get3A_205 = arith.constant 0 : index
        %get3A_206 = tpu.vector_load %arg10[%get3A_204, %get3A_205] {strides = array<i32>} : memref<112x64xf32, #tpu.memory_space<vmem>>, vector<1x16xf32>,
        %get3A_207 = vector.shape_cast %get3A_206 : vector<1x16xf32> to vector<16xf32>
        %add3A_208 = arith.addf %add3A_186, %get3A_207 : vector<16xf32>
        %get3A_209 = arith.index_cast %add3A_203 : i32 to index
        %get3A_210 = arith.constant 16 : index
        %get3A_211 = tpu.vector_load %arg10[%get3A_209, %get3A_210] {strides = array<i32>} : memref<112x64xf32, #tpu.memory_space<vmem>>, vector<1x16xf32>,
        %get3A_212 = vector.shape_cast %get3A_211 : vector<1x16xf32> to vector<16xf32>
        %add3A_213 = arith.addf %add3A_191, %get3A_212 : vector<16xf32>
        %get3A_214 = arith.index_cast %add3A_203 : i32 to index
        %get3A_215 = arith.constant 32 : index
        %get3A_216 = tpu.vector_load %arg10[%get3A_214, %get3A_215] {strides = array<i32>} : memref<112x64xf32, #tpu.memory_space<vmem>>, vector<1x16xf32>,
        %get3A_217 = vector.shape_cast %get3A_216 : vector<1x16xf32> to vector<16xf32>
        %add3A_218 = arith.addf %add3A_196, %get3A_217 : vector<16xf32>
        %get3A_219 = arith.index_cast %add3A_203 : i32 to index
        %get3A_220 = arith.constant 48 : index
        %get3A_221 = tpu.vector_load %arg10[%get3A_219, %get3A_220] {strides = array<i32>} : memref<112x64xf32, #tpu.memory_space<vmem>>, vector<1x16xf32>,
        %get3A_222 = vector.shape_cast %get3A_221 : vector<1x16xf32> to vector<16xf32>
        %add3A_223 = arith.addf %add3A_201, %get3A_222 : vector<16xf32>
        %add3A_224 = arith.constant 6 : i32
        %add3A_225 = arith.addi %mul3A_92, %add3A_224 : i32
        %get3A_226 = arith.index_cast %add3A_225 : i32 to index
        %get3A_227 = arith.constant 0 : index
        %get3A_228 = tpu.vector_load %arg10[%get3A_226, %get3A_227] {strides = array<i32>} : memref<112x64xf32, #tpu.memory_space<vmem>>, vector<1x16xf32>,
        %get3A_229 = vector.shape_cast %get3A_228 : vector<1x16xf32> to vector<16xf32>
        %add3A_230 = arith.addf %add3A_208, %get3A_229 : vector<16xf32>
        %get3A_231 = arith.index_cast %add3A_225 : i32 to index
        %get3A_232 = arith.constant 16 : index
        %get3A_233 = tpu.vector_load %arg10[%get3A_231, %get3A_232] {strides = array<i32>} : memref<112x64xf32, #tpu.memory_space<vmem>>, vector<1x16xf32>,
        %get3A_234 = vector.shape_cast %get3A_233 : vector<1x16xf32> to vector<16xf32>
        %add3A_235 = arith.addf %add3A_213, %get3A_234 : vector<16xf32>
        %get3A_236 = arith.index_cast %add3A_225 : i32 to index
        %get3A_237 = arith.constant 32 : index
        %get3A_238 = tpu.vector_load %arg10[%get3A_236, %get3A_237] {strides = array<i32>} : memref<112x64xf32, #tpu.memory_space<vmem>>, vector<1x16xf32>,
        %get3A_239 = vector.shape_cast %get3A_238 : vector<1x16xf32> to vector<16xf32>
        %add3A_240 = arith.addf %add3A_218, %get3A_239 : vector<16xf32>
        %get3A_241 = arith.index_cast %add3A_225 : i32 to index
        %get3A_242 = arith.constant 48 : index
        %get3A_243 = tpu.vector_load %arg10[%get3A_241, %get3A_242] {strides = array<i32>} : memref<112x64xf32, #tpu.memory_space<vmem>>, vector<1x16xf32>,
        %get3A_244 = vector.shape_cast %get3A_243 : vector<1x16xf32> to vector<16xf32>
        %add3A_245 = arith.addf %add3A_223, %get3A_244 : vector<16xf32>
        %add3A_246 = arith.constant 7 : i32
        %add3A_247 = arith.addi %mul3A_92, %add3A_246 : i32
        %get3A_248 = arith.index_cast %add3A_247 : i32 to index
        %get3A_249 = arith.constant 0 : index
        %get3A_250 = tpu.vector_load %arg10[%get3A_248, %get3A_249] {strides = array<i32>} : memref<112x64xf32, #tpu.memory_space<vmem>>, vector<1x16xf32>,
        %get3A_251 = vector.shape_cast %get3A_250 : vector<1x16xf32> to vector<16xf32>
        %add3A_252 = arith.addf %add3A_230, %get3A_251 : vector<16xf32>
        %get3A_253 = arith.index_cast %add3A_247 : i32 to index
        %get3A_254 = arith.constant 16 : index
        %get3A_255 = tpu.vector_load %arg10[%get3A_253, %get3A_254] {strides = array<i32>} : memref<112x64xf32, #tpu.memory_space<vmem>>, vector<1x16xf32>,
        %get3A_256 = vector.shape_cast %get3A_255 : vector<1x16xf32> to vector<16xf32>
        %add3A_257 = arith.addf %add3A_235, %get3A_256 : vector<16xf32>
        %get3A_258 = arith.index_cast %add3A_247 : i32 to index
        %get3A_259 = arith.constant 32 : index
        %get3A_260 = tpu.vector_load %arg10[%get3A_258, %get3A_259] {strides = array<i32>} : memref<112x64xf32, #tpu.memory_space<vmem>>, vector<1x16xf32>,
        %get3A_261 = vector.shape_cast %get3A_260 : vector<1x16xf32> to vector<16xf32>
        %add3A_262 = arith.addf %add3A_240, %get3A_261 : vector<16xf32>
        %get3A_263 = arith.index_cast %add3A_247 : i32 to index
        %get3A_264 = arith.constant 48 : index
        %get3A_265 = tpu.vector_load %arg10[%get3A_263, %get3A_264] {strides = array<i32>} : memref<112x64xf32, #tpu.memory_space<vmem>>, vector<1x16xf32>,
        %get3A_266 = vector.shape_cast %get3A_265 : vector<1x16xf32> to vector<16xf32>
        %add3A_267 = arith.addf %add3A_245, %get3A_266 : vector<16xf32>
        scf.yield %add3A_252, %add3A_257, %add3A_262, %add3A_267 : vector<16xf32>, vector<16xf32>, vector<16xf32>, vector<16xf32>
      }
      %scan3A_61 = arith.constant 14 : i32
      %add3A_62 = arith.constant 2 : i32
      %add3A_63 = arith.addi %mul3A_48, %add3A_62 : i32
      %lt3A = arith.constant 56 : i32
      %lt3A_64 = arith.cmpi slt, %add3A_63, %lt3A : i32
      %convert_element_type3A = arith.extui %lt3A_64 : i1 to i32
      %cond3A = arith.constant 0 : i32
      %cond3A_65 = arith.cmpi ne, %convert_element_type3A, %cond3A : i32
      scf.if %cond3A_65 {
        %add3A_86 = arith.constant 2 : i32
        %add3A_87 = arith.addi %mul3A_48, %add3A_86 : i32
        %dma_start3A_88 = arith.constant 0 : i32
        %dma_start3A_89 = tpu.memref_slice %arg8[%add3A_87, %dma_start3A_88] : memref<56x112xi32, #tpu.memory_space<vmem>> -> memref<1x112xi32, #tpu.memory_space<vmem>>
        %dma_start3A_90 = tpu.memref_squeeze %dma_start3A_89 : memref<1x112xi32, #tpu.memory_space<vmem>> -> memref<112xi32, #tpu.memory_space<vmem>>
        %dma_start3A_91 = arith.constant 0 : i32
        %dma_start3A_92 = arith.constant 0 : i32
        %dma_start3A_93 = tpu.memref_slice %arg4[%dma_start3A_91, %dma_start3A_92] : memref<1000000x64xf32, #tpu.memory_space<hbm>> -> memref<1000000x64xf32, #tpu.memory_space<hbm>>
        tpu.enqueue_indirect_dma source(%dma_start3A_93 : memref<1000000x64xf32, #tpu.memory_space<hbm>>) target(%arg10 : memref<112x64xf32, #tpu.memory_space<vmem>>) offsets(%dma_start3A_90 : memref<112xi32, #tpu.memory_space<vmem>>) semaphore(%arg14 : memref<!tpu.dma_semaphore, #tpu.memory_space<semaphore_mem>>)
      } else {
      }
      %dma_wait3A_66 = arith.constant 1 : i32
      %dma_wait3A_67 = arith.constant 0 : i32
      %dma_wait3A_68 = tpu.memref_slice %arg8[%dma_wait3A_66, %dma_wait3A_67] : memref<56x112xi32, #tpu.memory_space<vmem>> -> memref<1x112xi32, #tpu.memory_space<vmem>>
      %dma_wait3A_69 = tpu.memref_squeeze %dma_wait3A_68 : memref<1x112xi32, #tpu.memory_space<vmem>> -> memref<112xi32, #tpu.memory_space<vmem>>
      %dma_wait3A_70 = arith.constant 0 : i32
      %dma_wait3A_71 = arith.constant 0 : i32
      %dma_wait3A_72 = tpu.memref_slice %arg4[%dma_wait3A_70, %dma_wait3A_71] : memref<1000000x64xf32, #tpu.memory_space<hbm>> -> memref<1000000x64xf32, #tpu.memory_space<hbm>>
      tpu.wait_indirect_dma semaphore(%arg15 : memref<!tpu.dma_semaphore, #tpu.memory_space<semaphore_mem>>) src(%dma_wait3A_72 : memref<1000000x64xf32, #tpu.memory_space<hbm>>) dst(%arg11 : memref<112x64xf32, #tpu.memory_space<vmem>>)
      %scan3A_73 = arith.constant 0 : i32
      %scan3A_74 = arith.constant 14 : i32
      %scan3A_75 = arith.addi %scan3A_73, %scan3A_74 : i32
      %scan3A_76 = arith.constant 1 : i32
      %scan3A_77:4 = scf.for %scan3A_86 = %scan3A_73 to %scan3A_75 step %scan3A_76 iter_args(%scan3A_87 = %scan3A_60#0, %scan3A_88 = %scan3A_60#1, %scan3A_89 = %scan3A_60#2, %scan3A_90 = %scan3A_60#3) -> (vector<16xf32>, vector<16xf32>, vector<16xf32>, vector<16xf32>)  : i32 {
        %mul3A_91 = arith.constant 8 : i32
        %mul3A_92 = arith.muli %scan3A_86, %mul3A_91 : i32
        %add3A_93 = arith.constant 0 : i32
        %add3A_94 = arith.addi %mul3A_92, %add3A_93 : i32
        %get3A = arith.index_cast %add3A_94 : i32 to index
        %get3A_95 = arith.constant 0 : index
        %get3A_96 = tpu.vector_load %arg11[%get3A, %get3A_95] {strides = array<i32>} : memref<112x64xf32, #tpu.memory_space<vmem>>, vector<1x16xf32>,
        %get3A_97 = vector.shape_cast %get3A_96 : vector<1x16xf32> to vector<16xf32>
        %add3A_98 = arith.addf %scan3A_87, %get3A_97 : vector<16xf32>
        %get3A_99 = arith.index_cast %add3A_94 : i32 to index
        %get3A_100 = arith.constant 16 : index
        %get3A_101 = tpu.vector_load %arg11[%get3A_99, %get3A_100] {strides = array<i32>} : memref<112x64xf32, #tpu.memory_space<vmem>>, vector<1x16xf32>,
        %get3A_102 = vector.shape_cast %get3A_101 : vector<1x16xf32> to vector<16xf32>
        %add3A_103 = arith.addf %scan3A_88, %get3A_102 : vector<16xf32>
        %get3A_104 = arith.index_cast %add3A_94 : i32 to index
        %get3A_105 = arith.constant 32 : index
        %get3A_106 = tpu.vector_load %arg11[%get3A_104, %get3A_105] {strides = array<i32>} : memref<112x64xf32, #tpu.memory_space<vmem>>, vector<1x16xf32>,
        %get3A_107 = vector.shape_cast %get3A_106 : vector<1x16xf32> to vector<16xf32>
        %add3A_108 = arith.addf %scan3A_89, %get3A_107 : vector<16xf32>
        %get3A_109 = arith.index_cast %add3A_94 : i32 to index
        %get3A_110 = arith.constant 48 : index
        %get3A_111 = tpu.vector_load %arg11[%get3A_109, %get3A_110] {strides = array<i32>} : memref<112x64xf32, #tpu.memory_space<vmem>>, vector<1x16xf32>,
        %get3A_112 = vector.shape_cast %get3A_111 : vector<1x16xf32> to vector<16xf32>
        %add3A_113 = arith.addf %scan3A_90, %get3A_112 : vector<16xf32>
        %add3A_114 = arith.constant 1 : i32
        %add3A_115 = arith.addi %mul3A_92, %add3A_114 : i32
        %get3A_116 = arith.index_cast %add3A_115 : i32 to index
        %get3A_117 = arith.constant 0 : index
        %get3A_118 = tpu.vector_load %arg11[%get3A_116, %get3A_117] {strides = array<i32>} : memref<112x64xf32, #tpu.memory_space<vmem>>, vector<1x16xf32>,
        %get3A_119 = vector.shape_cast %get3A_118 : vector<1x16xf32> to vector<16xf32>
        %add3A_120 = arith.addf %add3A_98, %get3A_119 : vector<16xf32>
        %get3A_121 = arith.index_cast %add3A_115 : i32 to index
        %get3A_122 = arith.constant 16 : index
        %get3A_123 = tpu.vector_load %arg11[%get3A_121, %get3A_122] {strides = array<i32>} : memref<112x64xf32, #tpu.memory_space<vmem>>, vector<1x16xf32>,
        %get3A_124 = vector.shape_cast %get3A_123 : vector<1x16xf32> to vector<16xf32>
        %add3A_125 = arith.addf %add3A_103, %get3A_124 : vector<16xf32>
        %get3A_126 = arith.index_cast %add3A_115 : i32 to index
        %get3A_127 = arith.constant 32 : index
        %get3A_128 = tpu.vector_load %arg11[%get3A_126, %get3A_127] {strides = array<i32>} : memref<112x64xf32, #tpu.memory_space<vmem>>, vector<1x16xf32>,
        %get3A_129 = vector.shape_cast %get3A_128 : vector<1x16xf32> to vector<16xf32>
        %add3A_130 = arith.addf %add3A_108, %get3A_129 : vector<16xf32>
        %get3A_131 = arith.index_cast %add3A_115 : i32 to index
        %get3A_132 = arith.constant 48 : index
        %get3A_133 = tpu.vector_load %arg11[%get3A_131, %get3A_132] {strides = array<i32>} : memref<112x64xf32, #tpu.memory_space<vmem>>, vector<1x16xf32>,
        %get3A_134 = vector.shape_cast %get3A_133 : vector<1x16xf32> to vector<16xf32>
        %add3A_135 = arith.addf %add3A_113, %get3A_134 : vector<16xf32>
        %add3A_136 = arith.constant 2 : i32
        %add3A_137 = arith.addi %mul3A_92, %add3A_136 : i32
        %get3A_138 = arith.index_cast %add3A_137 : i32 to index
        %get3A_139 = arith.constant 0 : index
        %get3A_140 = tpu.vector_load %arg11[%get3A_138, %get3A_139] {strides = array<i32>} : memref<112x64xf32, #tpu.memory_space<vmem>>, vector<1x16xf32>,
        %get3A_141 = vector.shape_cast %get3A_140 : vector<1x16xf32> to vector<16xf32>
        %add3A_142 = arith.addf %add3A_120, %get3A_141 : vector<16xf32>
        %get3A_143 = arith.index_cast %add3A_137 : i32 to index
        %get3A_144 = arith.constant 16 : index
        %get3A_145 = tpu.vector_load %arg11[%get3A_143, %get3A_144] {strides = array<i32>} : memref<112x64xf32, #tpu.memory_space<vmem>>, vector<1x16xf32>,
        %get3A_146 = vector.shape_cast %get3A_145 : vector<1x16xf32> to vector<16xf32>
        %add3A_147 = arith.addf %add3A_125, %get3A_146 : vector<16xf32>
        %get3A_148 = arith.index_cast %add3A_137 : i32 to index
        %get3A_149 = arith.constant 32 : index
        %get3A_150 = tpu.vector_load %arg11[%get3A_148, %get3A_149] {strides = array<i32>} : memref<112x64xf32, #tpu.memory_space<vmem>>, vector<1x16xf32>,
        %get3A_151 = vector.shape_cast %get3A_150 : vector<1x16xf32> to vector<16xf32>
        %add3A_152 = arith.addf %add3A_130, %get3A_151 : vector<16xf32>
        %get3A_153 = arith.index_cast %add3A_137 : i32 to index
        %get3A_154 = arith.constant 48 : index
        %get3A_155 = tpu.vector_load %arg11[%get3A_153, %get3A_154] {strides = array<i32>} : memref<112x64xf32, #tpu.memory_space<vmem>>, vector<1x16xf32>,
        %get3A_156 = vector.shape_cast %get3A_155 : vector<1x16xf32> to vector<16xf32>
        %add3A_157 = arith.addf %add3A_135, %get3A_156 : vector<16xf32>
        %add3A_158 = arith.constant 3 : i32
        %add3A_159 = arith.addi %mul3A_92, %add3A_158 : i32
        %get3A_160 = arith.index_cast %add3A_159 : i32 to index
        %get3A_161 = arith.constant 0 : index
        %get3A_162 = tpu.vector_load %arg11[%get3A_160, %get3A_161] {strides = array<i32>} : memref<112x64xf32, #tpu.memory_space<vmem>>, vector<1x16xf32>,
        %get3A_163 = vector.shape_cast %get3A_162 : vector<1x16xf32> to vector<16xf32>
        %add3A_164 = arith.addf %add3A_142, %get3A_163 : vector<16xf32>
        %get3A_165 = arith.index_cast %add3A_159 : i32 to index
        %get3A_166 = arith.constant 16 : index
        %get3A_167 = tpu.vector_load %arg11[%get3A_165, %get3A_166] {strides = array<i32>} : memref<112x64xf32, #tpu.memory_space<vmem>>, vector<1x16xf32>,
        %get3A_168 = vector.shape_cast %get3A_167 : vector<1x16xf32> to vector<16xf32>
        %add3A_169 = arith.addf %add3A_147, %get3A_168 : vector<16xf32>
        %get3A_170 = arith.index_cast %add3A_159 : i32 to index
        %get3A_171 = arith.constant 32 : index
        %get3A_172 = tpu.vector_load %arg11[%get3A_170, %get3A_171] {strides = array<i32>} : memref<112x64xf32, #tpu.memory_space<vmem>>, vector<1x16xf32>,
        %get3A_173 = vector.shape_cast %get3A_172 : vector<1x16xf32> to vector<16xf32>
        %add3A_174 = arith.addf %add3A_152, %get3A_173 : vector<16xf32>
        %get3A_175 = arith.index_cast %add3A_159 : i32 to index
        %get3A_176 = arith.constant 48 : index
        %get3A_177 = tpu.vector_load %arg11[%get3A_175, %get3A_176] {strides = array<i32>} : memref<112x64xf32, #tpu.memory_space<vmem>>, vector<1x16xf32>,
        %get3A_178 = vector.shape_cast %get3A_177 : vector<1x16xf32> to vector<16xf32>
        %add3A_179 = arith.addf %add3A_157, %get3A_178 : vector<16xf32>
        %add3A_180 = arith.constant 4 : i32
        %add3A_181 = arith.addi %mul3A_92, %add3A_180 : i32
        %get3A_182 = arith.index_cast %add3A_181 : i32 to index
        %get3A_183 = arith.constant 0 : index
        %get3A_184 = tpu.vector_load %arg11[%get3A_182, %get3A_183] {strides = array<i32>} : memref<112x64xf32, #tpu.memory_space<vmem>>, vector<1x16xf32>,
        %get3A_185 = vector.shape_cast %get3A_184 : vector<1x16xf32> to vector<16xf32>
        %add3A_186 = arith.addf %add3A_164, %get3A_185 : vector<16xf32>
        %get3A_187 = arith.index_cast %add3A_181 : i32 to index
        %get3A_188 = arith.constant 16 : index
        %get3A_189 = tpu.vector_load %arg11[%get3A_187, %get3A_188] {strides = array<i32>} : memref<112x64xf32, #tpu.memory_space<vmem>>, vector<1x16xf32>,
        %get3A_190 = vector.shape_cast %get3A_189 : vector<1x16xf32> to vector<16xf32>
        %add3A_191 = arith.addf %add3A_169, %get3A_190 : vector<16xf32>
        %get3A_192 = arith.index_cast %add3A_181 : i32 to index
        %get3A_193 = arith.constant 32 : index
        %get3A_194 = tpu.vector_load %arg11[%get3A_192, %get3A_193] {strides = array<i32>} : memref<112x64xf32, #tpu.memory_space<vmem>>, vector<1x16xf32>,
        %get3A_195 = vector.shape_cast %get3A_194 : vector<1x16xf32> to vector<16xf32>
        %add3A_196 = arith.addf %add3A_174, %get3A_195 : vector<16xf32>
        %get3A_197 = arith.index_cast %add3A_181 : i32 to index
        %get3A_198 = arith.constant 48 : index
        %get3A_199 = tpu.vector_load %arg11[%get3A_197, %get3A_198] {strides = array<i32>} : memref<112x64xf32, #tpu.memory_space<vmem>>, vector<1x16xf32>,
        %get3A_200 = vector.shape_cast %get3A_199 : vector<1x16xf32> to vector<16xf32>
        %add3A_201 = arith.addf %add3A_179, %get3A_200 : vector<16xf32>
        %add3A_202 = arith.constant 5 : i32
        %add3A_203 = arith.addi %mul3A_92, %add3A_202 : i32
        %get3A_204 = arith.index_cast %add3A_203 : i32 to index
        %get3A_205 = arith.constant 0 : index
        %get3A_206 = tpu.vector_load %arg11[%get3A_204, %get3A_205] {strides = array<i32>} : memref<112x64xf32, #tpu.memory_space<vmem>>, vector<1x16xf32>,
        %get3A_207 = vector.shape_cast %get3A_206 : vector<1x16xf32> to vector<16xf32>
        %add3A_208 = arith.addf %add3A_186, %get3A_207 : vector<16xf32>
        %get3A_209 = arith.index_cast %add3A_203 : i32 to index
        %get3A_210 = arith.constant 16 : index
        %get3A_211 = tpu.vector_load %arg11[%get3A_209, %get3A_210] {strides = array<i32>} : memref<112x64xf32, #tpu.memory_space<vmem>>, vector<1x16xf32>,
        %get3A_212 = vector.shape_cast %get3A_211 : vector<1x16xf32> to vector<16xf32>
        %add3A_213 = arith.addf %add3A_191, %get3A_212 : vector<16xf32>
        %get3A_214 = arith.index_cast %add3A_203 : i32 to index
        %get3A_215 = arith.constant 32 : index
        %get3A_216 = tpu.vector_load %arg11[%get3A_214, %get3A_215] {strides = array<i32>} : memref<112x64xf32, #tpu.memory_space<vmem>>, vector<1x16xf32>,
        %get3A_217 = vector.shape_cast %get3A_216 : vector<1x16xf32> to vector<16xf32>
        %add3A_218 = arith.addf %add3A_196, %get3A_217 : vector<16xf32>
        %get3A_219 = arith.index_cast %add3A_203 : i32 to index
        %get3A_220 = arith.constant 48 : index
        %get3A_221 = tpu.vector_load %arg11[%get3A_219, %get3A_220] {strides = array<i32>} : memref<112x64xf32, #tpu.memory_space<vmem>>, vector<1x16xf32>,
        %get3A_222 = vector.shape_cast %get3A_221 : vector<1x16xf32> to vector<16xf32>
        %add3A_223 = arith.addf %add3A_201, %get3A_222 : vector<16xf32>
        %add3A_224 = arith.constant 6 : i32
        %add3A_225 = arith.addi %mul3A_92, %add3A_224 : i32
        %get3A_226 = arith.index_cast %add3A_225 : i32 to index
        %get3A_227 = arith.constant 0 : index
        %get3A_228 = tpu.vector_load %arg11[%get3A_226, %get3A_227] {strides = array<i32>} : memref<112x64xf32, #tpu.memory_space<vmem>>, vector<1x16xf32>,
        %get3A_229 = vector.shape_cast %get3A_228 : vector<1x16xf32> to vector<16xf32>
        %add3A_230 = arith.addf %add3A_208, %get3A_229 : vector<16xf32>
        %get3A_231 = arith.index_cast %add3A_225 : i32 to index
        %get3A_232 = arith.constant 16 : index
        %get3A_233 = tpu.vector_load %arg11[%get3A_231, %get3A_232] {strides = array<i32>} : memref<112x64xf32, #tpu.memory_space<vmem>>, vector<1x16xf32>,
        %get3A_234 = vector.shape_cast %get3A_233 : vector<1x16xf32> to vector<16xf32>
        %add3A_235 = arith.addf %add3A_213, %get3A_234 : vector<16xf32>
        %get3A_236 = arith.index_cast %add3A_225 : i32 to index
        %get3A_237 = arith.constant 32 : index
        %get3A_238 = tpu.vector_load %arg11[%get3A_236, %get3A_237] {strides = array<i32>} : memref<112x64xf32, #tpu.memory_space<vmem>>, vector<1x16xf32>,
        %get3A_239 = vector.shape_cast %get3A_238 : vector<1x16xf32> to vector<16xf32>
        %add3A_240 = arith.addf %add3A_218, %get3A_239 : vector<16xf32>
        %get3A_241 = arith.index_cast %add3A_225 : i32 to index
        %get3A_242 = arith.constant 48 : index
        %get3A_243 = tpu.vector_load %arg11[%get3A_241, %get3A_242] {strides = array<i32>} : memref<112x64xf32, #tpu.memory_space<vmem>>, vector<1x16xf32>,
        %get3A_244 = vector.shape_cast %get3A_243 : vector<1x16xf32> to vector<16xf32>
        %add3A_245 = arith.addf %add3A_223, %get3A_244 : vector<16xf32>
        %add3A_246 = arith.constant 7 : i32
        %add3A_247 = arith.addi %mul3A_92, %add3A_246 : i32
        %get3A_248 = arith.index_cast %add3A_247 : i32 to index
        %get3A_249 = arith.constant 0 : index
        %get3A_250 = tpu.vector_load %arg11[%get3A_248, %get3A_249] {strides = array<i32>} : memref<112x64xf32, #tpu.memory_space<vmem>>, vector<1x16xf32>,
        %get3A_251 = vector.shape_cast %get3A_250 : vector<1x16xf32> to vector<16xf32>
        %add3A_252 = arith.addf %add3A_230, %get3A_251 : vector<16xf32>
        %get3A_253 = arith.index_cast %add3A_247 : i32 to index
        %get3A_254 = arith.constant 16 : index
        %get3A_255 = tpu.vector_load %arg11[%get3A_253, %get3A_254] {strides = array<i32>} : memref<112x64xf32, #tpu.memory_space<vmem>>, vector<1x16xf32>,
        %get3A_256 = vector.shape_cast %get3A_255 : vector<1x16xf32> to vector<16xf32>
        %add3A_257 = arith.addf %add3A_235, %get3A_256 : vector<16xf32>
        %get3A_258 = arith.index_cast %add3A_247 : i32 to index
        %get3A_259 = arith.constant 32 : index
        %get3A_260 = tpu.vector_load %arg11[%get3A_258, %get3A_259] {strides = array<i32>} : memref<112x64xf32, #tpu.memory_space<vmem>>, vector<1x16xf32>,
        %get3A_261 = vector.shape_cast %get3A_260 : vector<1x16xf32> to vector<16xf32>
        %add3A_262 = arith.addf %add3A_240, %get3A_261 : vector<16xf32>
        %get3A_263 = arith.index_cast %add3A_247 : i32 to index
        %get3A_264 = arith.constant 48 : index
        %get3A_265 = tpu.vector_load %arg11[%get3A_263, %get3A_264] {strides = array<i32>} : memref<112x64xf32, #tpu.memory_space<vmem>>, vector<1x16xf32>,
        %get3A_266 = vector.shape_cast %get3A_265 : vector<1x16xf32> to vector<16xf32>
        %add3A_267 = arith.addf %add3A_245, %get3A_266 : vector<16xf32>
        scf.yield %add3A_252, %add3A_257, %add3A_262, %add3A_267 : vector<16xf32>, vector<16xf32>, vector<16xf32>, vector<16xf32>
      }
      %scan3A_78 = arith.constant 14 : i32
      %add3A_79 = arith.constant 3 : i32
      %add3A_80 = arith.addi %mul3A_48, %add3A_79 : i32
      %lt3A_81 = arith.constant 56 : i32
      %lt3A_82 = arith.cmpi slt, %add3A_80, %lt3A_81 : i32
      %convert_element_type3A_83 = arith.extui %lt3A_82 : i1 to i32
      %cond3A_84 = arith.constant 0 : i32
      %cond3A_85 = arith.cmpi ne, %convert_element_type3A_83, %cond3A_84 : i32
      scf.if %cond3A_85 {
        %add3A_86 = arith.constant 3 : i32
        %add3A_87 = arith.addi %mul3A_48, %add3A_86 : i32
        %dma_start3A_88 = arith.constant 0 : i32
        %dma_start3A_89 = tpu.memref_slice %arg8[%add3A_87, %dma_start3A_88] : memref<56x112xi32, #tpu.memory_space<vmem>> -> memref<1x112xi32, #tpu.memory_space<vmem>>
        %dma_start3A_90 = tpu.memref_squeeze %dma_start3A_89 : memref<1x112xi32, #tpu.memory_space<vmem>> -> memref<112xi32, #tpu.memory_space<vmem>>
        %dma_start3A_91 = arith.constant 0 : i32
        %dma_start3A_92 = arith.constant 0 : i32
        %dma_start3A_93 = tpu.memref_slice %arg4[%dma_start3A_91, %dma_start3A_92] : memref<1000000x64xf32, #tpu.memory_space<hbm>> -> memref<1000000x64xf32, #tpu.memory_space<hbm>>
        tpu.enqueue_indirect_dma source(%dma_start3A_93 : memref<1000000x64xf32, #tpu.memory_space<hbm>>) target(%arg11 : memref<112x64xf32, #tpu.memory_space<vmem>>) offsets(%dma_start3A_90 : memref<112xi32, #tpu.memory_space<vmem>>) semaphore(%arg15 : memref<!tpu.dma_semaphore, #tpu.memory_space<semaphore_mem>>)
      } else {
      }
      scf.yield %scan3A_77#0, %scan3A_77#1, %scan3A_77#2, %scan3A_77#3 : vector<16xf32>, vector<16xf32>, vector<16xf32>, vector<16xf32>
    }
    %scan3A_26 = arith.constant 28 : i32
    %swap3A = arith.constant 0 : index
    %swap3A_27 = tpu.vector_load %arg12[%swap3A] {strides = array<i32>} : memref<64xf32, #tpu.memory_space<vmem>>, vector<16xf32>,
    %swap3A_28 = vector.shape_cast %swap3A_27 : vector<16xf32> to vector<16xf32>
    %swap3A_29 = vector.shape_cast %scan3A_25#0 : vector<16xf32> to vector<16xf32>
    tpu.vector_store %arg12[%swap3A], %swap3A_29 {strides = array<i32>} : memref<64xf32, #tpu.memory_space<vmem>>, vector<16xf32>,
    %swap3A_30 = arith.constant 16 : index
    %swap3A_31 = tpu.vector_load %arg12[%swap3A_30] {strides = array<i32>} : memref<64xf32, #tpu.memory_space<vmem>>, vector<16xf32>,
    %swap3A_32 = vector.shape_cast %swap3A_31 : vector<16xf32> to vector<16xf32>
    %swap3A_33 = vector.shape_cast %scan3A_25#1 : vector<16xf32> to vector<16xf32>
    tpu.vector_store %arg12[%swap3A_30], %swap3A_33 {strides = array<i32>} : memref<64xf32, #tpu.memory_space<vmem>>, vector<16xf32>,
    %swap3A_34 = arith.constant 32 : index
    %swap3A_35 = tpu.vector_load %arg12[%swap3A_34] {strides = array<i32>} : memref<64xf32, #tpu.memory_space<vmem>>, vector<16xf32>,
    %swap3A_36 = vector.shape_cast %swap3A_35 : vector<16xf32> to vector<16xf32>
    %swap3A_37 = vector.shape_cast %scan3A_25#2 : vector<16xf32> to vector<16xf32>
    tpu.vector_store %arg12[%swap3A_34], %swap3A_37 {strides = array<i32>} : memref<64xf32, #tpu.memory_space<vmem>>, vector<16xf32>,
    %swap3A_38 = arith.constant 48 : index
    %swap3A_39 = tpu.vector_load %arg12[%swap3A_38] {strides = array<i32>} : memref<64xf32, #tpu.memory_space<vmem>>, vector<16xf32>,
    %swap3A_40 = vector.shape_cast %swap3A_39 : vector<16xf32> to vector<16xf32>
    %swap3A_41 = vector.shape_cast %scan3A_25#3 : vector<16xf32> to vector<16xf32>
    tpu.vector_store %arg12[%swap3A_38], %swap3A_41 {strides = array<i32>} : memref<64xf32, #tpu.memory_space<vmem>>, vector<16xf32>,
    "tpu.region"() ({
      %run_scoped3A = tpu.sem_alloc : memref<!tpu.dma_semaphore, #tpu.memory_space<semaphore_mem>>
      %dma_start3A_42 = arith.constant 0 : i32
      %dma_start3A_43 = tpu.memref_slice %arg6[%add3A, %dma_start3A_42] : memref<32x64xf32, #tpu.memory_space<hbm>> -> memref<1x64xf32, #tpu.memory_space<hbm>>
      %dma_start3A_44 = tpu.memref_squeeze %dma_start3A_43 : memref<1x64xf32, #tpu.memory_space<hbm>> -> memref<64xf32, #tpu.memory_space<hbm>>
      %dma_start3A_45 = arith.constant 0 : i32
      %dma_start3A_46 = tpu.memref_slice %arg6[%add3A, %dma_start3A_45] : memref<32x64xf32, #tpu.memory_space<hbm>> -> memref<1x64xf32, #tpu.memory_space<hbm>>
      %dma_start3A_47 = tpu.memref_squeeze %dma_start3A_46 : memref<1x64xf32, #tpu.memory_space<hbm>> -> memref<64xf32, #tpu.memory_space<hbm>>
      tpu.enqueue_dma source(%arg12 : memref<64xf32, #tpu.memory_space<vmem>>) target(%dma_start3A_47 : memref<64xf32, #tpu.memory_space<hbm>>) target_semaphore(%run_scoped3A : memref<!tpu.dma_semaphore, #tpu.memory_space<semaphore_mem>>)
      %dma_wait3A_48 = arith.constant 0 : i32
      %dma_wait3A_49 = tpu.memref_slice %arg6[%add3A, %dma_wait3A_48] : memref<32x64xf32, #tpu.memory_space<hbm>> -> memref<1x64xf32, #tpu.memory_space<hbm>>
      %dma_wait3A_50 = tpu.memref_squeeze %dma_wait3A_49 : memref<1x64xf32, #tpu.memory_space<hbm>> -> memref<64xf32, #tpu.memory_space<hbm>>
      %dma_wait3A_51 = arith.constant 0 : i32
      %dma_wait3A_52 = tpu.memref_slice %arg6[%add3A, %dma_wait3A_51] : memref<32x64xf32, #tpu.memory_space<hbm>> -> memref<1x64xf32, #tpu.memory_space<hbm>>
      %dma_wait3A_53 = tpu.memref_squeeze %dma_wait3A_52 : memref<1x64xf32, #tpu.memory_space<hbm>> -> memref<64xf32, #tpu.memory_space<hbm>>
      tpu.wait_dma2 semaphore(%run_scoped3A : memref<!tpu.dma_semaphore, #tpu.memory_space<semaphore_mem>>) src(%arg12 : memref<64xf32, #tpu.memory_space<vmem>>) dst(%dma_wait3A_53 : memref<64xf32, #tpu.memory_space<hbm>>)
      tpu.yield
    }) : () -> ()
    return
  }
}

module attributes {stable_mosaic.version = 14 : i64} {
  func.func @_tc_head_kernel(%arg0: memref<4096x64xf32, #tpu.memory_space<vmem>>, %arg1: memref<32x64xf32, #tpu.memory_space<vmem>>, %arg2: memref<4x64xf32, #tpu.memory_space<vmem>>, %arg3: memref<1x4xf32, #tpu.memory_space<vmem>>, %arg4: memref<4096x4xf32, #tpu.memory_space<vmem>>) attributes {dimension_semantics = [], scalar_prefetch = 0 : i64, scratch_operands = 0 : i64, tpu.core_type = #tpu.core_type<tc>} {
    %get3A = arith.constant 0 : index
    %get3A_0 = arith.constant 0 : index
    %get3A_1 = vector.load %arg0[%get3A, %get3A_0] : memref<4096x64xf32, #tpu.memory_space<vmem>>, vector<4096x64xf32>
    %get3A_2 = arith.constant 0 : index
    %get3A_3 = arith.constant 0 : index
    %get3A_4 = vector.load %arg1[%get3A_2, %get3A_3] : memref<32x64xf32, #tpu.memory_space<vmem>>, vector<32x64xf32>
    %iota3A = tpu.iota {dimensions = array<i32: 0>} : vector<4096x1xi32>
    %eq3A = arith.constant 4095 : i32
    %eq3A_5 = vector.broadcast %eq3A : i32 to vector<4096x1xi32>
    %eq3A_6 = arith.cmpi eq, %iota3A, %eq3A_5 : vector<4096x1xi32>
    %jit3A = arith.constant 0.000000e+00 : f32
    %broadcast_in_dim3A = vector.shape_cast %eq3A_6 : vector<4096x1xi1> to vector<4096x1xi1>
    %broadcast_in_dim3A_7 = vector.broadcast %broadcast_in_dim3A : vector<4096x1xi1> to vector<4096x64xi1>
    %broadcast_in_dim3A_8 = vector.broadcast %jit3A : f32 to vector<4096x64xf32>
    %select_n3A = arith.select %broadcast_in_dim3A_7, %get3A_1, %broadcast_in_dim3A_8 : vector<4096x64xi1>, vector<4096x64xf32>
    %reduce_sum3A = arith.constant dense<0.000000e+00> : vector<64xf32>
    %reduce_sum3A_9 = vector.multi_reduction <add>, %select_n3A, %reduce_sum3A [0] : vector<4096x64xf32> to vector<64xf32>
    %broadcast_in_dim3A_10 = vector.shape_cast %reduce_sum3A_9 : vector<64xf32> to vector<1x64xf32>
    %reduce_sum3A_11 = arith.constant dense<0.000000e+00> : vector<64xf32>
    %reduce_sum3A_12 = vector.multi_reduction <add>, %get3A_4, %reduce_sum3A_11 [0] : vector<32x64xf32> to vector<64xf32>
    %broadcast_in_dim3A_13 = vector.shape_cast %reduce_sum3A_12 : vector<64xf32> to vector<1x64xf32>
    %add3A = arith.addf %broadcast_in_dim3A_13, %broadcast_in_dim3A_10 : vector<1x64xf32>
    %mul3A = arith.constant 4.98243708E-6 : f32
    %mul3A_14 = vector.broadcast %mul3A : f32 to vector<1x64xf32>
    %mul3A_15 = arith.mulf %add3A, %mul3A_14 : vector<1x64xf32>
    %eq3A_16 = arith.constant 4095 : i32
    %eq3A_17 = vector.broadcast %eq3A_16 : i32 to vector<4096x1xi32>
    %eq3A_18 = arith.cmpi eq, %iota3A, %eq3A_17 : vector<4096x1xi32>
    %broadcast_in_dim3A_19 = vector.shape_cast %eq3A_18 : vector<4096x1xi1> to vector<4096x1xi1>
    %broadcast_in_dim3A_20 = vector.broadcast %broadcast_in_dim3A_19 : vector<4096x1xi1> to vector<4096x64xi1>
    %broadcast_in_dim3A_21 = vector.shape_cast %mul3A_15 : vector<1x64xf32> to vector<1x64xf32>
    %broadcast_in_dim3A_22 = vector.broadcast %broadcast_in_dim3A_21 : vector<1x64xf32> to vector<4096x64xf32>
    %select_n3A_23 = arith.select %broadcast_in_dim3A_20, %broadcast_in_dim3A_22, %get3A_1 : vector<4096x64xi1>, vector<4096x64xf32>
    %get3A_24 = arith.constant 0 : index
    %get3A_25 = arith.constant 0 : index
    %get3A_26 = vector.load %arg2[%get3A_24, %get3A_25] : memref<4x64xf32, #tpu.memory_space<vmem>>, vector<4x64xf32>
    %dot_general3A = arith.constant dense<0.000000e+00> : vector<4096x4xf32>
    %dot_general3A_27 = tpu.matmul %select_n3A_23, %get3A_26, %dot_general3A {dimension_numbers = #tpu.dot_dimension_numbers<[1], [1], [0], [0], [0, 0, 1, 0], [], []>, transpose_lhs_hint = false} : vector<4096x64xf32>, vector<4x64xf32>, vector<4096x4xf32> -> vector<4096x4xf32>
    %get3A_28 = arith.constant 0 : index
    %get3A_29 = arith.constant 0 : index
    %get3A_30 = vector.load %arg3[%get3A_28, %get3A_29] : memref<1x4xf32, #tpu.memory_space<vmem>>, vector<1x4xf32>
    %add3A_31 = vector.broadcast %get3A_30 : vector<1x4xf32> to vector<4096x4xf32>
    %add3A_32 = arith.addf %dot_general3A_27, %add3A_31 : vector<4096x4xf32>
    %swap3A = arith.constant 0 : index
    %swap3A_33 = arith.constant 0 : index
    %swap3A_34 = vector.load %arg4[%swap3A, %swap3A_33] : memref<4096x4xf32, #tpu.memory_space<vmem>>, vector<4096x4xf32>
    tpu.vector_store %arg4[%swap3A, %swap3A_33], %add3A_32 {strides = array<i32>} : memref<4096x4xf32, #tpu.memory_space<vmem>>, vector<4096x4xf32>,
    return
  }
}

</mosaic_0001>

<sc_bundles>
// kernel: kernel.4.cloned.1.call-start
scs
__scs_entry_jumppad:
0x0: {  	(pc) =	sbr.rel $0x88, $3  }
0x1: {  	(tag) =	ssettag $0x0;
	lr =	simm.s32 $0x1  }
0x2: {  	[smem:$0x3F9D] =	sst lr;
	_ =	strace $0xD0000000  }
0x3: {  	_ = 	snop  }
0x4: {  	_ = 	snop  }
0x5: {  	_ = 	snop  }
0x6: {  	_ = 	snop  }
0x7: {  	_ = 	snop  }
__scs_overlays_trampoline_lowered:
0x8: {  	[smem:$0x3FAC] =	sst s0  }
0x9: {  	[smem:$0x3FAD] =	sst s1  }
0xa: {  	[smem:$0x3FAE] =	sst s2  }
0xb: {  	[smem:$0x3FAF] =	sst s3  }
0xc: {  	[smem:$0x3FB0] =	sst s4  }
0xd: {  	[smem:$0x3FB1] =	sst s5  }
0xe: {  	[smem:$0x3FB2] =	sst s6  }
0xf: {  	[smem:$0x3FB3] =	sst s7  }
0x10: {  	[smem:$0x3FB4] =	sst s8  }
0x11: {  	[smem:$0x3FB5] =	sst s9;
	s0 =	simm.s32 @!p0 $0x0  }
0x12: {  	s1 =	sld [smem:$0x3F9B];
	s0 =	simm.s32 @p0 $0x1  }
0x13: {  	[smem:$0x3FB6] =	sst s0;
	s0 =	simm.s32 @!p1 $0x0  }
0x14: {  	s2 =	sld [smem:$0x3F9A];
	s0 =	simm.s32 @p1 $0x1  }
0x15: {  	[smem:$0x3FB7] =	sst s0;
	s0 =	simm.s32 @!p2 $0x0  }
0x16: {  	s3 =	sld [smem:$0x3FDB];
	s0 =	simm.s32 @p2 $0x1  }
0x17: {  	s4 =	simm.s32 $0x1BF5;
	[smem:$0x3FB9] =	sst s0  }
0x18: {  	s0 =	sld [smem:$0x3F9C];
	_ =	swait.ge [sflag:s4], $0x0  }
0x19: {  	s7 =	sld [smem:$0x3F9D]  }
0x1a: {  	s8 =	sadd.s32 $0xFFFFE003, lr  }
0x1b: {  	s9 =	sadd.s32 $0xFFFFFEF7, lr;
	s5 =	simm.s32 $0xFFFFFFFF;
	p2 =	slt.u32 s8, $0xFFFFF086  }
0x1c: {  	p1 =	slt.u32 s9, $0xF7A;
	s5 =	simm.s32 @!p2 $0x0  }
0x1d: {  	s5 =	simm.s32 @p1 $0x1;
	p0 =	seq.s32 s7, s2  }
0x1e: {  	s7 =	smul.u32 @!p0 $0xF7A, s2;
	p2 =	seq.s32 @!p0 s5, $0x0  }
0x1f: {  	s9 =	smul.u32 $0xF7A, s1;
	s8 =	simm.s32 @!p0 $0x1BF5;
	p2 =	por !p2, p0  }
0x20: {  	[sflag:s8] =	ssyncset.s32 @!p0 $0xFFFFF086;
	s6 =	sadd.s32 @!p0 s3, s7;
	s7 =	simm.s32 @!p0 $0x108  }
0x21: {  	s3 =	sadd.s32 s3, s9;
	s6 =	sadd.s32 @!p0 $0x88, s6;
	s7 =	simm.s32 @p2 $0x1082  }
0x22: {  	[simem:s7], [sflag:s8] =	dma.local @!p0 [hbm:s6], $0xF7A  }
0x23: {  	s9 =	sor.u32 $0xD0000000, s2;
	s6 =	simm.s32 $0x108;
	_ =	swait.ge @!p0 [sflag:s8], $0x0  }
0x24: {  	s3 =	sadd.s32 $0x88, s3;
	s6 =	simm.s32 @!p1 $0x1082;
	[sflag:s4] =	ssyncset.s32 $0xFFFFF086  }
0x25: {  	[simem:s6], [sflag:s4] =	dma.local [hbm:s3], $0xF7A  }
0x26: {  	[smem:$0x3F9D] =	sst s1;
	(tag) =	ssettag s2;
	_ =	strace s9  }
0x27: {  	s1 =	sld [smem:$0x3FAD]  }
0x28: {  	s2 =	sld [smem:$0x3FAE]  }
0x29: {  	s4 =	sld [smem:$0x3FB0]  }
0x2a: {  	p0 =	seq.s32 s5, $0x0;
	s5 =	sld [smem:$0x3FB1]  }
0x2b: {  	s6 =	sld [smem:$0x3FB2]  }
0x2c: {  	s7 =	sld [smem:$0x3FB3]  }
0x2d: {  	s3 =	simm.s32 $0x108;
	s8 =	sld [smem:$0x3FB4]  }
0x2e: {  	s3 =	simm.s32 @!p0 $0x1082;
	s9 =	sld [smem:$0x3FB5]  }
0x2f: {  	lr =	sadd.s32 s0, s3;
	s0 =	sld [smem:$0x3FAC]  }
0x30: {  	s3 =	sld [smem:$0x3FAF]  }
0x31: {  	[smem:$0x3FB8] =	sst s10  }
0x32: {  	s10 =	sld [smem:$0x3FB6];
	_ =	sdelay $0x3  }
0x33: {  	p0 =	seq.s32 s10, $0x1;
	s10 =	sld [smem:$0x3FB8];
	_ =	sdelay $0x3  }
0x34: {  	[smem:$0x3FB8] =	sst s10  }
0x35: {  	s10 =	sld [smem:$0x3FB7];
	_ =	sdelay $0x3  }
0x36: {  	p1 =	seq.s32 s10, $0x1;
	s10 =	sld [smem:$0x3FB8];
	_ =	sdelay $0x3  }
0x37: {  	[smem:$0x3FB8] =	sst s10  }
0x38: {  	s10 =	sld [smem:$0x3FB9]  }
0x39: {  	_ = 	snop;
	(pc) =	sbr.ind lr, $3  }
0x3a: {  	_ = 	snop  }
0x3b: {  	_ = 	snop  }
0x3c: {  	p2 =	seq.s32 s10, $0x1;
	s10 =	sld [smem:$0x3FB8]  }
0x3d: {  	_ =	shalt  }
0x3e: {  	_ =	shalt  }
0x3f: {  	_ =	shalt  }
0x40: {  	_ =	shalt  }
0x41: {  	_ =	shalt  }
0x42: {  	_ =	shalt  }
0x43: {  	_ =	shalt  }
0x44: {  	_ =	shalt  }
0x45: {  	_ =	shalt  }
0x46: {  	_ =	shalt  }
0x47: {  	_ =	shalt  }
0x48: {  	_ =	shalt  }
0x49: {  	_ =	shalt  }
0x4a: {  	_ =	shalt  }
0x4b: {  	_ =	shalt  }
0x4c: {  	_ =	shalt  }
0x4d: {  	_ =	shalt  }
0x4e: {  	_ =	shalt  }
0x4f: {  	_ =	shalt  }
0x50: {  	_ =	shalt  }
0x51: {  	_ =	shalt  }
0x52: {  	_ =	shalt  }
0x53: {  	_ =	shalt  }
0x54: {  	_ =	shalt  }
0x55: {  	_ =	shalt  }
0x56: {  	_ =	shalt  }
0x57: {  	_ =	shalt  }
0x58: {  	_ =	shalt  }
0x59: {  	_ =	shalt  }
0x5a: {  	_ =	shalt  }
0x5b: {  	_ =	shalt  }
0x5c: {  	_ =	shalt  }
0x5d: {  	_ =	shalt  }
0x5e: {  	_ =	shalt  }
0x5f: {  	_ =	shalt  }
0x60: {  	_ =	shalt  }
0x61: {  	_ =	shalt  }
0x62: {  	_ =	shalt  }
0x63: {  	_ =	shalt  }
0x64: {  	_ =	shalt  }
0x65: {  	_ =	shalt  }
0x66: {  	_ =	shalt  }
0x67: {  	_ =	shalt  }
0x68: {  	_ =	shalt  }
0x69: {  	_ =	shalt  }
0x6a: {  	_ =	shalt  }
0x6b: {  	_ =	shalt  }
0x6c: {  	_ =	shalt  }
0x6d: {  	_ =	shalt  }
0x6e: {  	_ =	shalt  }
0x6f: {  	_ =	shalt  }
0x70: {  	_ =	shalt  }
0x71: {  	_ =	shalt  }
0x72: {  	_ =	shalt  }
0x73: {  	_ =	shalt  }
0x74: {  	_ =	shalt  }
0x75: {  	_ =	shalt  }
0x76: {  	_ =	shalt  }
0x77: {  	_ =	shalt  }
0x78: {  	_ =	shalt  }
0x79: {  	_ =	shalt  }
0x7a: {  	_ =	shalt  }
0x7b: {  	_ =	shalt  }
0x7c: {  	_ =	shalt  }
0x7d: {  	_ =	shalt  }
0x7e: {  	_ =	shalt  }
0x7f: {  	_ =	shalt  }
0x80: {  	_ =	shalt  }
0x81: {  	_ =	shalt  }
0x82: {  	_ =	shalt  }
0x83: {  	_ =	shalt  }
0x84: {  	_ =	shalt  }
0x85: {  	_ =	shalt  }
0x86: {  	_ =	shalt  }
0x87: {  	_ =	shalt  }
.Lfunc_end0:
.L_simem_size_0:
called_computation_lowered:
.L_overlay_start_0:
0x88: {  	s2 =	sld [smem:$0x3FD9]  }
0x89: {  	s3 =	sld [smem:$0x3FFE];
	_ =	sdelay $0x1  }
0x8a: {  	s1 =	srdreg.scid  }
0x8b: {  	s0 =	sand.u32 $0x1, s1  }
0x8c: {  	s17 =	sshll.u32 s0, $0xA;
	s2 =	sadd.s32 s3, s2  }
0x8d: {  	s2 =	sadd.s32 s2, s17  }
0x8e: {  	[smem:$0x3FC4] =	sst s2  }
0x8f: {  	_ = 	snop  }
0x90: {  	s2 =	sld [smem:$0x3FD0];
	(tm) =	ssettm $0x1  }
0x91: {  	s18 =	sld [smem:$0x3FFB];
	_ =	sdelay $0x3  }
0x92: {  	_ =	strace s18  }
0x93: {  	s3 =	sld [smem:$0x3FFC];
	_ =	sdelay $0x3  }
0x94: {  	_ =	strace s3  }
0x95: {  	s3 =	sld [smem:$0x3FFD];
	_ =	sdelay $0x3  }
0x96: {  	_ =	strace s3  }
0x97: {  	_ =	strace $0x8FFFFFFF  }
0x98: {  	s19 =	sld [smem:$0x3FDB];
	_ =	sdelay $0x1  }
0x99: {  	s4 =	simm.s32 $_scs_section_size  }
0x9a: {  	s5 =	simm.s32 $_size__tile_overlayer_lowered;
	s6 =	simm.s32 $_tile_overlayer_lowered  }
0x9b: {  	s22 =	simm.s32 $0x1BFF;
	s21 =	sshll.u32 s6, $0x1;
	s3 =	sadd.s32 s4, s19  }
0x9c: {  	s7 =	simm.s32 $0x0;
	s20 =	sshll.u32 s5, $0x1;
	s5 =	sadd.s32 s21, s3  }
0x9d: {  	[timem:s7], [sflag:s22] =	dma.local [hbm:s5], s20  }
0x9e: {  	_ =	swait.ge [sflag:s22], s20  }
0x9f: {  	s4 =	ssub.s32 $0x0, s20;
	[sflag:s22] =	ssyncset.done $0x0  }
0xa0: {  	[sflag:s22] =	ssyncadd.s32 s4;
	_ =	sdelay $0x1  }
0xa1: {  	s23 =	simm.s32 $0x1B8B  }
0xa2: {  	_ =	swait.ge [sflag:s23], $0x1  }
0xa3: {  	[sflag:s23] =	ssyncset.done $0x0  }
0xa4: {  	s25 =	simm.s32 $0x1B8E;
	s24 =	sld [smem:$0x3FFE];
	[sflag:s23] =	ssyncadd.s32 $0xFFFFFFFF  }
0xa5: {  	s26 =	simm.s32 $execute0_lowered;
	[smem:$0x3FD2] =	sst s25  }
0xa6: {  	s5 =	sshll.u32 s26, $0x1;
	_ =	strace $0x80000046;
	[dreg:$0x1] =	wrdreg $0xFFFFFFFF  }
0xa7: {  	s28 =	simm.s32 $_size_execute0_lowered;
	s3 =	sadd.s32 s3, s5;
	[dreg:$0x0] =	wrdreg $0x0  }
0xa8: {  	s5 =	sshll.u32 s28, $0x1;
	[dreg:$0x2] =	wrdreg s3  }
0xa9: {  	[dreg:$0x3] =	wrdreg s5  }
0xaa: {  	[dreg:$0x4] =	wrdreg $0xC0  }
0xab: {  	_ =	task [dreg:s7], $0x5FFFF  }
0xac: {  	[dreg:$0x1] =	wrdreg $0xFFFFFFFF  }
0xad: {  	[dreg:$0x0] =	wrdreg $0x60  }
0xae: {  	[dreg:$0x2] =	wrdreg s2  }
0xaf: {  	[dreg:$0x3] =	wrdreg s24  }
0xb0: {  	[dreg:$0x4] =	wrdreg $0x9  }
0xb1: {  	_ =	task.clear_ibuf [dreg:s7], $0x5FFFF;
	_ =	strace $0x90000046  }
0xb2: {  	s29 =	simm.s32 $0x9;
	_ =	strace $0x80000048  }
0xb3: {  	_ =	swait.ge [sflag:s29], $0x1  }
0xb4: {  	[sflag:s29] =	ssyncadd.s32 $0xFFFFFFFF  }
0xb5: {  	_ =	strace $0x90000048  }
0xb6: {  	_ =	sfence  }
0xb7: {  	s30 =	sld [smem:$0x0];
	_ =	sdelay $0x2  }
0xb8: {  	s31 =	sshll.u32 s1, $0xD;
	s1 =	sshrl.u32 s1, $0x2  }
0xb9: {  	s3 =	sand.u32 $0x4000, s31;
	s1 =	sadd.s32 s1, s30  }
0xba: {  	s0 =	sor.u32 s3, s0;
	s1 =	sshll.u32 s1, $0x11  }
0xbb: {  	s0 =	sor.u32 s1, s0  }
0xbc: {  	s0 =	sadd.s32 $0x8F2B, s0  }
0xbd: {  	[sflag:s0] =	ssyncadd.remote.s32 $0x1  }
0xbe: {  	_ =	sfence.sel $0xFFFF  }
0xbf: {  	[dreg:$0x0] =	wrdreg $0xFFFFFFFF;
	(pc) =	sbr.abs _section_cstart, $3  }
0xc0: {  	[dreg:$0x1] =	wrdreg $0xFFFFFFFF  }
0xc1: {  	_ =	task.clear_ibuf [dreg:s7], $0x2FFFF;
	_ =	strace $0x9FFFFFFF  }
0xc2: {  	(tm) =	ssettm $0x7FFFFFFF  }
0xc3: {  	_ =	shalt  }
tec
execute0_lowered:
.L_overlay_start_1:
0x0: {  	(tag) =	ssettag $0x1  }
0x1: {  	s4 =	rddreg [dreg:$0x0];
	s1 =	srdreg.scid  }
0x2: {  	s0 =	stileid.u32;
	s5 =	rddreg [dreg:$0x1]  }
0x3: {  	s2 =	simm.s32 $0x0;
	s12 =	simm.s32 $0x70;
	s13 =	simm.s32 $0x3900  }
0x4: {  	s14 =	simm.s32 $0xF0;
	s15 =	simm.s32 $0x5500;
	s16 =	simm.s32 $0x1  }
0x5: {  	s17 =	simm.s32 $0x2;
	s18 =	simm.s32 $0x3;
	s19 =	simm.s32 $0x7100  }
0x6: {  	s6 =	sand.u32 $0x1, s1;
	s3 =	sshll.u32 s0, $0x1;
	s1 =	rddreg [dreg:$0x2]  }
0x7: {  	s20 =	simm.s32 $0x0;
	[smem:$0x7FF] =	sst s2;
	s7 =	sor.u32 s6, s3  }
0x8: {  	_ =	strace $0x80000047;
	s6 =	ssub.s32 $0x2, s6;
	s3 =	smul.u32 $0x310, s7  }
0x9: {  	s9 =	sshll.u32 s7, $0xA;
	s10 =	sshll.u32 s7, $0x3;
	s31 =	sshrl.u32 s6, $0x1  }
.Ltmp0:
0xa: {  	s7 =	sshll.u32 s7, $0x4;
	s9 =	sadd.s32 s9, s5;
	(pc) =	sbr.rel .LBB2_1-.Ltmp0, $4  }
0xb: {  	s10 =	sadd.s32 s10, s5;
	s11 =	ssub.s32 s6, s31;
	s4 =	sadd.s32 s4, s7  }
0xc: {  	s8 =	sadd.s32 s3, s5;
	s3 =	sadd.s32 $0xF49200, s5;
	s6 =	sadd.s32 $0x6E00, s9  }
0xd: {  	s7 =	sadd.s32 $0xEE00, s10;
	s9 =	simm.s32 $0x4;
	s10 =	simm.s32 $0x80  }
0xe: {  	s5 =	sadd.s32 $0xC00, s8;
	s8 =	smax.u32 s11, $0x1;
	s11 =	simm.s32 $0x1900  }
.LBB2_8:
0xf: {  	[tilespmem:$0x7100] =	vst v8  }
0x10: {  	[tilespmem:$0x7110] =	vst v1;
	s20 =	sadd.s32 $0x1, s20  }
0x11: {  	[tilespmem:$0x7120] =	vst v6;
	p0 =	sne.s32 s20, s8  }
.Ltmp1:
0x12: {  	[tilespmem:$0x7130] =	vst v2;
	(pc) =	sbr.rel @!p0 .LBB2_9-.Ltmp1, $4  }
0x13: {  	[hbm4b:s7+s2] =	stream.linear.scatter [tilespmem:s19], [sflag:$0x4], $0x40, $0x38;
	[tilespmem:$0x7140] =	vst v63  }
0x14: {  	_ =	swait.ge [sflag:s9], $0x40  }
0x15: {  	[sflag:s9] =	ssyncset.done $0x0  }
0x16: {  	[sflag:s9] =	ssyncadd.s32 $0xFFFFFFC0  }
.LBB2_1:
0x17: {  	[tilespmem:s2], [sflag:$0x4] =	stream.linear.gather [hbm4b:s4+s2], $0x80, $0x38;
	[tilespmem:$0x7140] =	vst v63  }
0x18: {  	_ =	swait.ge [sflag:s9], $0x80  }
0x19: {  	[sflag:s9] =	ssyncset.done $0x0  }
0x1a: {  	[sflag:s9] =	ssyncadd.s32 $0xFFFFFF80  }
0x1b: {  	[tilespmem:s11], [sflag:$0x1] =	stream.indirect.gather [hbm4b:s3+s10], $0x40, s2, s10, $0xb8;
	[tilespmem:$0x7140] =	vst v63  }
0x1c: {  	_ = 	snop  }
0x1d: {  	[tilespmem:s10], [sflag:$0x4] =	stream.linear.gather [hbm4b:s5+s2], $0x1880, $0x38;
	[tilespmem:$0x7140] =	vst v63  }
0x1e: {  	_ =	swait.ge [sflag:s9], $0x1880  }
0x1f: {  	[sflag:s9] =	ssyncset.done $0x0  }
0x20: {  	[sflag:s9] =	ssyncadd.s32 $0xFFFFE780  }
0x21: {  	[tilespmem:s13], [sflag:$0x2] =	stream.indirect.gather [hbm4b:s3+s12], $0x40, s10, s12, $0xb8;
	[tilespmem:$0x7140] =	vst v63  }
0x22: {  	_ = 	snop  }
0x23: {  	[tilespmem:s15], [sflag:$0x3] =	stream.indirect.gather [hbm4b:s3+s12], $0x40, s14, s12, $0xb8;
	[tilespmem:$0x7140] =	vst v63  }
0x24: {  	_ =	swait.ge [sflag:s16], $0x2000  }
0x25: {  	[sflag:s16] =	ssyncset.done $0x0  }
0x26: {  	[sflag:s16] =	ssyncadd.s32 $0xFFFFE000  }
0x27: {  	[hbm4b:s6+s2] =	stream.linear.scatter [tilespmem:s11], [sflag:$0x4], $0x2000, $0x38;
	[tilespmem:$0x7140] =	vst v63  }
0x28: {  	_ =	swait.ge [sflag:s9], $0x2000  }
0x29: {  	v2 =	vimm.f32 $0.0e+00;
	[sflag:s9] =	ssyncset.done $0x0  }
0x2a: {  	v6 =	vimm.f32 $0.0e+00;
	v1 =	vimm.f32 $0.0e+00;
	v8 =	vimm.f32 $0.0e+00;
	s21 =	simm.s32 $0x0;
	[sflag:s9] =	ssyncadd.s32 $0xFFFFE000  }
.LBB2_2:
0x2b: {  	_ =	swait.ge [sflag:s17], $0x1C00  }
0x2c: {  	[sflag:s17] =	ssyncset.done $0x0  }
0x2d: {  	s22 =	simm.s32 $0x0;
	[sflag:s17] =	ssyncadd.s32 $0xFFFFE400  }
0x2e: {  	v3 =	vld [tilespmem:s22+$0x3AC0]  }
0x2f: {  	v4 =	vld [tilespmem:s22+$0x3AD0]  }
0x30: {  	v5 =	vld [tilespmem:s22+$0x3A80]  }
0x31: {  	v7 =	vld [tilespmem:s22+$0x3A90]  }
0x32: {  	v9 =	vld [tilespmem:s22+$0x3A40]  }
0x33: {  	v10 =	vld [tilespmem:s22+$0x3A50]  }
0x34: {  	v12 =	vld [tilespmem:s22+$0x3A00]  }
0x35: {  	v13 =	vld [tilespmem:s22+$0x3A10]  }
0x36: {  	v15 =	vld [tilespmem:s22+$0x39C0]  }
0x37: {  	v16 =	vld [tilespmem:s22+$0x39D0]  }
0x38: {  	v11 =	vld [tilespmem:s22+$0x3980]  }
0x39: {  	v14 =	vld [tilespmem:s22+$0x3990]  }
0x3a: {  	v17 =	vld [tilespmem:s22+$0x3940]  }
0x3b: {  	v18 =	vld [tilespmem:s22+$0x3950]  }
0x3c: {  	v20 =	vld [tilespmem:s22+$0x3900]  }
0x3d: {  	v21 =	vld [tilespmem:s22+$0x3910]  }
0x3e: {  	s23 =	simm.s32 $0x800;
	v19 =	vld [tilespmem:s22+$0x3920]  }
.LBB2_3:
0x3f: {  	p0 =	sne.s32 s23, $0x6800;
	v0 =	vld [tilespmem:s22+$0x3930]  }
0x40: {  	v22 =	vld [tilespmem:s22+$0x3960]  }
0x41: {  	v23 =	vld [tilespmem:s22+$0x3970]  }
0x42: {  	v24 =	vld [tilespmem:s22+$0x39A0]  }
0x43: {  	v8 =	vadd.f32 v20, v8;
	v1 =	vadd.f32 v21, v1;
	v20 =	vld [tilespmem:s22+$0x39B0]  }
0x44: {  	v6 =	vadd.f32 v19, v6;
	v0 =	vadd.f32 v0, v2;
	v2 =	vld [tilespmem:s22+$0x39E0]  }
0x45: {  	v8 =	vadd.f32 v17, v8;
	v1 =	vadd.f32 v18, v1;
	v17 =	vld [tilespmem:s22+$0x39F0]  }
0x46: {  	v6 =	vadd.f32 v22, v6;
	v0 =	vadd.f32 v23, v0;
	v18 =	vld [tilespmem:s22+$0x3A20]  }
0x47: {  	v8 =	vadd.f32 v11, v8;
	v1 =	vadd.f32 v14, v1;
	v11 =	vld [tilespmem:s22+$0x3A30]  }
0x48: {  	v6 =	vadd.f32 v24, v6;
	v0 =	vadd.f32 v20, v0;
	v14 =	vld [tilespmem:s22+$0x3A60]  }
0x49: {  	v8 =	vadd.f32 v15, v8;
	v1 =	vadd.f32 v16, v1;
	v15 =	vld [tilespmem:s22+$0x3A70]  }
0x4a: {  	v2 =	vadd.f32 v2, v6;
	v0 =	vadd.f32 v17, v0;
	v6 =	vld [tilespmem:s22+$0x3AA0]  }
0x4b: {  	v8 =	vadd.f32 v12, v8;
	v1 =	vadd.f32 v13, v1;
	v12 =	vld [tilespmem:s22+$0x3AB0]  }
0x4c: {  	v2 =	vadd.f32 v18, v2;
	v0 =	vadd.f32 v11, v0;
	v11 =	vld [tilespmem:s22+$0x3AE0]  }
0x4d: {  	v8 =	vadd.f32 v9, v8;
	v1 =	vadd.f32 v10, v1;
	v10 =	vld [tilespmem:s22+$0x3AF0];
	s22 =	sshra.s32 s23, $0x2  }
0x4e: {  	v2 =	vadd.f32 v14, v2;
	v13 =	vld [tilespmem:s22+$0x3AC0];
	v0 =	vadd.f32 v15, v0  }
0x4f: {  	v8 =	vadd.f32 v5, v8;
	v1 =	vadd.f32 v7, v1;
	v14 =	vld [tilespmem:s22+$0x3AD0]  }
0x50: {  	v2 =	vadd.f32 v6, v2;
	v5 =	vld [tilespmem:s22+$0x3A80];
	v0 =	vadd.f32 v12, v0  }
0x51: {  	v8 =	vadd.f32 v3, v8;
	v1 =	vadd.f32 v4, v1;
	v7 =	vld [tilespmem:s22+$0x3A90]  }
0x52: {  	v6 =	vadd.f32 v11, v2;
	v9 =	vld [tilespmem:s22+$0x3A40];
	v2 =	vadd.f32 v10, v0  }
0x53: {  	v10 =	vld [tilespmem:s22+$0x3A50];
	v3 =	vmov v13  }
0x54: {  	v12 =	vld [tilespmem:s22+$0x3A00];
	v4 =	vmov v14  }
0x55: {  	v13 =	vld [tilespmem:s22+$0x3A10]  }
0x56: {  	v15 =	vld [tilespmem:s22+$0x39C0]  }
0x57: {  	v16 =	vld [tilespmem:s22+$0x39D0]  }
0x58: {  	v11 =	vld [tilespmem:s22+$0x3980]  }
0x59: {  	v14 =	vld [tilespmem:s22+$0x3990]  }
.Ltmp2:
0x5a: {  	v17 =	vld [tilespmem:s22+$0x3940];
	(pc) =	sbr.rel @p0 .LBB2_3-.Ltmp2, $4  }
0x5b: {  	v18 =	vld [tilespmem:s22+$0x3950]  }
0x5c: {  	v20 =	vld [tilespmem:s22+$0x3900]  }
0x5d: {  	v21 =	vld [tilespmem:s22+$0x3910]  }
0x5e: {  	s23 =	sadd.s32 $0x800, s23;
	v19 =	vld [tilespmem:s22+$0x3920]  }
0x5f: {  	v22 =	vld [tilespmem:s22+$0x3930]  }
0x60: {  	v23 =	vld [tilespmem:s22+$0x3960]  }
0x61: {  	v24 =	vld [tilespmem:s22+$0x3970]  }
0x62: {  	v25 =	vld [tilespmem:s22+$0x39A0]  }
0x63: {  	v26 =	vld [tilespmem:s22+$0x39B0]  }
0x64: {  	v27 =	vld [tilespmem:s22+$0x39E0]  }
0x65: {  	v28 =	vld [tilespmem:s22+$0x39F0]  }
0x66: {  	v29 =	vld [tilespmem:s22+$0x3A20]  }
0x67: {  	v30 =	vld [tilespmem:s22+$0x3A30]  }
0x68: {  	v31 =	vld [tilespmem:s22+$0x3A60]  }
0x69: {  	v32 =	vld [tilespmem:s22+$0x3A70];
	p0 =	seq.s32 s21, $0x1B  }
0x6a: {  	v33 =	vld [tilespmem:s22+$0x3AA0];
	s23 =	smul.u32 @!p0 $0x380, s21  }
0x6b: {  	v34 =	vld [tilespmem:s22+$0x3AB0]  }
0x6c: {  	v35 =	vld [tilespmem:s22+$0x3AE0];
	s23 =	sshra.s32 @!p0 s23, $0x2  }
0x6d: {  	v36 =	vld [tilespmem:s22+$0x3AF0];
	s24 =	simm.s32 @!p0 $0x3900;
	s22 =	sadd.s32 @!p0 $0x160, s23;
	s23 =	simm.s32 @!p0 $0x70  }
0x6e: {  	[tilespmem:s24], [sflag:$0x2] =	stream.indirect.gather @!p0 [hbm4b:s3+s23], $0x40, s22, s23, $0xb8;
	[tilespmem:$0x7140] =	vst v63  }
0x6f: {  	_ =	swait.ge [sflag:s18], $0x1C00  }
0x70: {  	[sflag:s18] =	ssyncset.done $0x0  }
0x71: {  	s22 =	simm.s32 $0x0;
	[sflag:s18] =	ssyncadd.s32 $0xFFFFE400  }
0x72: {  	v0 =	vld [tilespmem:s22+$0x56C0]  }
0x73: {  	v8 =	vadd.f32 v20, v8;
	v20 =	vadd.f32 v21, v1;
	v1 =	vld [tilespmem:s22+$0x56D0]  }
0x74: {  	v19 =	vadd.f32 v19, v6;
	v21 =	vadd.f32 v22, v2;
	v2 =	vld [tilespmem:s22+$0x5680]  }
0x75: {  	v17 =	vadd.f32 v17, v8;
	v18 =	vadd.f32 v18, v20;
	v6 =	vld [tilespmem:s22+$0x5690]  }
0x76: {  	v19 =	vadd.f32 v23, v19;
	v20 =	vadd.f32 v24, v21;
	v8 =	vld [tilespmem:s22+$0x5640]  }
0x77: {  	v17 =	vadd.f32 v11, v17;
	v18 =	vadd.f32 v14, v18;
	v11 =	vld [tilespmem:s22+$0x5650]  }
0x78: {  	v19 =	vadd.f32 v25, v19;
	v20 =	vadd.f32 v26, v20;
	v14 =	vld [tilespmem:s22+$0x5600]  }
0x79: {  	v17 =	vadd.f32 v15, v17;
	v18 =	vadd.f32 v16, v18;
	v15 =	vld [tilespmem:s22+$0x5610]  }
0x7a: {  	v16 =	vld [tilespmem:s22+$0x55C0];
	v19 =	vadd.f32 v27, v19;
	v20 =	vadd.f32 v28, v20  }
0x7b: {  	v17 =	vadd.f32 v12, v17;
	v12 =	vld [tilespmem:s22+$0x55D0];
	v18 =	vadd.f32 v13, v18  }
0x7c: {  	v13 =	vld [tilespmem:s22+$0x5580];
	v19 =	vadd.f32 v29, v19;
	v20 =	vadd.f32 v30, v20  }
0x7d: {  	v17 =	vadd.f32 v9, v17;
	v9 =	vld [tilespmem:s22+$0x5590];
	v18 =	vadd.f32 v10, v18  }
0x7e: {  	v10 =	vld [tilespmem:s22+$0x5540];
	v19 =	vadd.f32 v31, v19;
	v20 =	vadd.f32 v32, v20  }
0x7f: {  	v5 =	vadd.f32 v5, v17;
	v17 =	vld [tilespmem:s22+$0x5550];
	v7 =	vadd.f32 v7, v18  }
0x80: {  	v18 =	vld [tilespmem:s22+$0x5500];
	v21 =	vadd.f32 v33, v19;
	v20 =	vadd.f32 v34, v20  }
0x81: {  	v3 =	vadd.f32 v3, v5;
	v19 =	vld [tilespmem:s22+$0x5510];
	v4 =	vadd.f32 v4, v7  }
0x82: {  	s23 =	simm.s32 $0x800;
	v5 =	vadd.f32 v35, v21;
	v7 =	vadd.f32 v36, v20;
	v20 =	vld [tilespmem:s22+$0x5520]  }
.LBB2_5:
0x83: {  	p1 =	sne.s32 s23, $0x6800;
	v21 =	vld [tilespmem:s22+$0x5530]  }
0x84: {  	v22 =	vld [tilespmem:s22+$0x5560]  }
0x85: {  	v23 =	vld [tilespmem:s22+$0x5570]  }
0x86: {  	v24 =	vld [tilespmem:s22+$0x55A0]  }
0x87: {  	v3 =	vadd.f32 v18, v3;
	v4 =	vadd.f32 v19, v4;
	v18 =	vld [tilespmem:s22+$0x55B0]  }
0x88: {  	v5 =	vadd.f32 v20, v5;
	v7 =	vadd.f32 v21, v7;
	v19 =	vld [tilespmem:s22+$0x55E0]  }
0x89: {  	v3 =	vadd.f32 v10, v3;
	v4 =	vadd.f32 v17, v4;
	v10 =	vld [tilespmem:s22+$0x55F0]  }
0x8a: {  	v5 =	vadd.f32 v22, v5;
	v7 =	vadd.f32 v23, v7;
	v17 =	vld [tilespmem:s22+$0x5620]  }
0x8b: {  	v3 =	vadd.f32 v13, v3;
	v4 =	vadd.f32 v9, v4;
	v9 =	vld [tilespmem:s22+$0x5630]  }
0x8c: {  	v5 =	vadd.f32 v24, v5;
	v7 =	vadd.f32 v18, v7;
	v13 =	vld [tilespmem:s22+$0x5660]  }
0x8d: {  	v3 =	vadd.f32 v16, v3;
	v4 =	vadd.f32 v12, v4;
	v12 =	vld [tilespmem:s22+$0x5670]  }
0x8e: {  	v5 =	vadd.f32 v19, v5;
	v7 =	vadd.f32 v10, v7;
	v10 =	vld [tilespmem:s22+$0x56A0]  }
0x8f: {  	v3 =	vadd.f32 v14, v3;
	v4 =	vadd.f32 v15, v4;
	v14 =	vld [tilespmem:s22+$0x56B0]  }
0x90: {  	v5 =	vadd.f32 v17, v5;
	v7 =	vadd.f32 v9, v7;
	v9 =	vld [tilespmem:s22+$0x56E0]  }
0x91: {  	v3 =	vadd.f32 v8, v3;
	v4 =	vadd.f32 v11, v4;
	v11 =	vld [tilespmem:s22+$0x56F0];
	s22 =	sshra.s32 s23, $0x2  }
0x92: {  	v5 =	vadd.f32 v13, v5;
	v15 =	vld [tilespmem:s22+$0x56C0];
	v7 =	vadd.f32 v12, v7  }
0x93: {  	v3 =	vadd.f32 v2, v3;
	v4 =	vadd.f32 v6, v4;
	v12 =	vld [tilespmem:s22+$0x56D0]  }
0x94: {  	v5 =	vadd.f32 v10, v5;
	v2 =	vld [tilespmem:s22+$0x5680];
	v7 =	vadd.f32 v14, v7  }
0x95: {  	v3 =	vadd.f32 v0, v3;
	v4 =	vadd.f32 v1, v4;
	v6 =	vld [tilespmem:s22+$0x5690]  }
0x96: {  	v5 =	vadd.f32 v9, v5;
	v8 =	vld [tilespmem:s22+$0x5640];
	v7 =	vadd.f32 v11, v7  }
0x97: {  	v11 =	vld [tilespmem:s22+$0x5650];
	v0 =	vmov v15  }
0x98: {  	v14 =	vld [tilespmem:s22+$0x5600];
	v1 =	vmov v12  }
0x99: {  	v15 =	vld [tilespmem:s22+$0x5610]  }
0x9a: {  	v16 =	vld [tilespmem:s22+$0x55C0]  }
0x9b: {  	v12 =	vld [tilespmem:s22+$0x55D0]  }
0x9c: {  	v13 =	vld [tilespmem:s22+$0x5580]  }
0x9d: {  	v9 =	vld [tilespmem:s22+$0x5590]  }
.Ltmp3:
0x9e: {  	v10 =	vld [tilespmem:s22+$0x5540];
	(pc) =	sbr.rel @p1 .LBB2_5-.Ltmp3, $4  }
0x9f: {  	v17 =	vld [tilespmem:s22+$0x5550]  }
0xa0: {  	v18 =	vld [tilespmem:s22+$0x5500]  }
0xa1: {  	v19 =	vld [tilespmem:s22+$0x5510]  }
0xa2: {  	s23 =	sadd.s32 $0x800, s23;
	v20 =	vld [tilespmem:s22+$0x5520]  }
0xa3: {  	v21 =	vld [tilespmem:s22+$0x5530]  }
0xa4: {  	v22 =	vld [tilespmem:s22+$0x5560]  }
0xa5: {  	v23 =	vld [tilespmem:s22+$0x5570]  }
0xa6: {  	v24 =	vld [tilespmem:s22+$0x55A0]  }
0xa7: {  	v58 =	vld [tilespmem:s22+$0x55B0];
	v3 =	vadd.f32 v18, v3;
	v4 =	vadd.f32 v19, v4  }
0xa8: {  	v59 =	vld [tilespmem:s22+$0x55E0];
	v5 =	vadd.f32 v20, v5;
	v7 =	vadd.f32 v21, v7  }
0xa9: {  	v3 =	vadd.f32 v10, v3;
	v10 =	vld [tilespmem:s22+$0x55F0];
	v4 =	vadd.f32 v17, v4  }
0xaa: {  	v60 =	vld [tilespmem:s22+$0x5620];
	v5 =	vadd.f32 v22, v5;
	v7 =	vadd.f32 v23, v7  }
0xab: {  	v3 =	vadd.f32 v13, v3;
	v4 =	vadd.f32 v9, v4;
	v9 =	vld [tilespmem:s22+$0x5630]  }
0xac: {  	v61 =	vld [tilespmem:s22+$0x5660];
	v5 =	vadd.f32 v24, v5;
	v7 =	vadd.f32 v58, v7  }
0xad: {  	v62 =	vld [tilespmem:s22+$0x5670];
	v3 =	vadd.f32 v16, v3;
	v4 =	vadd.f32 v12, v4  }
0xae: {  	v63 =	vld [tilespmem:s22+$0x56B0];
	v5 =	vadd.f32 v59, v5;
	v7 =	vadd.f32 v10, v7  }
0xaf: {  	v3 =	vadd.f32 v14, v3;
	v10 =	vld [tilespmem:s22+$0x56A0];
	v4 =	vadd.f32 v15, v4  }
0xb0: {  	v5 =	vadd.f32 v60, v5;
	v7 =	vadd.f32 v9, v7;
	v9 =	vld [tilespmem:s22+$0x56E0]  }
0xb1: {  	v3 =	vadd.f32 v8, v3;
	v4 =	vadd.f32 v11, v4;
	v11 =	vld [tilespmem:s22+$0x56F0]  }
.Ltmp4:
0xb2: {  	v5 =	vadd.f32 v61, v5;
	v7 =	vadd.f32 v62, v7;
	(pc) =	sbr.rel @p0 .LBB2_8-.Ltmp4, $4  }
0xb3: {  	v2 =	vadd.f32 v2, v3;
	v3 =	vadd.f32 v6, v4  }
0xb4: {  	v4 =	vadd.f32 v10, v5;
	v5 =	vadd.f32 v63, v7  }
0xb5: {  	v8 =	vadd.f32 v0, v2;
	v1 =	vadd.f32 v1, v3  }
0xb6: {  	v6 =	vadd.f32 v9, v4;
	v2 =	vadd.f32 v11, v5  }
0xb7: {  	s22 =	smul.u32 $0x380, s21  }
.Ltmp5:
0xb8: {  	_ = 	snop;
	(pc) =	sbr.rel .LBB2_2-.Ltmp5, $4  }
0xb9: {  	_ = 	snop  }
0xba: {  	s22 =	sshra.s32 s22, $0x2  }
0xbb: {  	s21 =	sadd.s32 $0x1, s21;
	s22 =	sadd.s32 $0x1D0, s22  }
0xbc: {  	[tilespmem:s15], [sflag:$0x3] =	stream.indirect.gather [hbm4b:s3+s12], $0x40, s22, s12, $0xb8;
	[tilespmem:$0x7140] =	vst v63  }
.LBB2_9:
0xbd: {  	_ =	sfence.sel $0x180000  }
0xbe: {  	[bflag:$0x0] =	sbarrier.arrive $0xFFFF  }
0xbf: {  	p0 =	sne.s32 s0, $0x0;
	_ =	strace $0x90000047  }
0xc0: {  	s0 =	sadd.s32 @!p0 $0x100000, s1;
	[bflag:$0x2] =	sbarrier.arrive $0xFFFF  }
0xc1: {  	[sflag:s0] =	ssyncadd.tile.s32 @!p0 $0x1;
	_ =	shalt  }
.Lfunc_end2:
_tile_overlayer_lowered:
.L_overlay_start_2:
0xc2: {  	(tag) =	ssettag $0x2  }
0xc3: {  	s0 =	rddreg [dreg:$0x0];
	s2 =	stileid.u32  }
0xc4: {  	s1 =	rddreg [dreg:$0x1];
	p0 =	sne.s32 s2, $0x0  }
0xc5: {  	s3 =	rddreg [dreg:$0x2];
	[bflag:$0x3] =	sbarrier.arrive $0xFFFF;
	s2 =	simm.s32 @!p0 $0x1C04  }
0xc6: {  	[timem:s3], [sflag:s2] =	dma.local @!p0 [hbm:s0], s1  }
0xc7: {  	s0 =	simm.s32 @!p0 $0x4  }
0xc8: {  	_ =	swait.ge @!p0 [sflag:s0], s1  }
0xc9: {  	s1 =	ssub.s32 @!p0 $0x0, s1;
	[sflag:s0] =	ssyncset.done @!p0 $0x0  }
0xca: {  	[sflag:s0] =	ssyncadd.s32 @!p0 s1  }
0xcb: {  	[bflag:$0x3] =	sbarrier.arrive $0xFFFF  }
0xcc: {  	_ =	shalt  }

</sc_bundles>
